<compile_context>
chip_gen: v7x
topology: tpu7x:2x2x1
jax: 0.10.2.dev20260603
libtpu: 0.0.44.dev20260713+nightly
codegen_flags: <defaults>
</compile_context>

<pallas_src>
import functools

import jax
import jax.numpy as jnp
from jax import lax
from jax.experimental import pallas as pl
from jax.experimental.pallas import tpu as pltpu
from jax.experimental.pallas import tpu_sc as plsc


@functools.cache
def _make_gather_t(V, D, B):
  info = plsc.get_sparse_core_info()
  NC, NS, L = info.num_cores, info.num_subcores, info.num_lanes
  NW = NC * NS
  assert D % NW == 0 and B % L == 0
  rows_per_w = D // NW
  CH = min(4096, B)
  UN = 8
  n_ch = B // CH
  mesh = plsc.VectorSubcoreMesh(core_axis_name="c", subcore_axis_name="s")

  @functools.partial(
      pl.kernel,
      mesh=mesh,
      compiler_params=pltpu.CompilerParams(
          use_tc_tiling_on_sc=True, needs_layout_passes=False
      ),
      out_type=jax.ShapeDtypeStruct((D, B), jnp.float32),
      scratch_types=[
          pltpu.VMEM((V,), jnp.float32),
          pltpu.VMEM((B,), jnp.int32),
          pltpu.VMEM((2, CH), jnp.float32),
          pltpu.SemaphoreType.DMA,
          pltpu.SemaphoreType.DMA,
          pltpu.SemaphoreType.DMA,
      ],
  )
  def gather_kernel(
      ids_hbm, tt_hbm, out_hbm, row_v, ids_v, out_v, sem_ids, sem_row, sem_out
  ):
    wid = lax.axis_index("s") * NC + lax.axis_index("c")
    d0 = wid * rows_per_w

    def start_row(d):
      return [pltpu.async_copy(tt_hbm.at[d], row_v, sem_row)]

    NCH_IDS = 8
    idw = B // NCH_IDS
    rot = (wid % NCH_IDS) * idw
    cp_ids = []
    for k in range(NCH_IDS):
      off = lax.rem(rot + k * idw, B)
      cp_ids.append(
          pltpu.async_copy(
              ids_hbm.at[pl.ds(off, idw)], ids_v.at[pl.ds(off, idw)], sem_ids
          )
      )
    cp_row = start_row(d0)
    for cp in cp_ids:
      cp.wait()

    writes = []
    for i in range(rows_per_w):
      d = d0 + i
      for cp in cp_row:
        cp.wait()
      for cb in range(n_ch):
        k = i * n_ch + cb
        buf = k % 2
        if k >= 2:
          writes[k - 2].wait()

        @plsc.parallel_loop(0, CH, step=L, unroll=UN)
        def _(off, cb=cb, buf=buf):
          idx = ids_v[pl.ds(cb * CH + off, L)]
          out_v[buf, pl.ds(off, L)] = plsc.load_gather(row_v, [idx])
        if cb == n_ch - 1 and i + 1 < rows_per_w:
          cp_row = start_row(d + 1)
        writes.append(
            pltpu.async_copy(
                out_v.at[buf], out_hbm.at[d, pl.ds(cb * CH, CH)], sem_out
            )
        )
    for w in writes[-2:]:
      w.wait()

  return gather_kernel


def kernel(speaker_ids, embedding_table):
  B, = speaker_ids.shape
  V, D = embedding_table.shape
  ids = speaker_ids.astype(jnp.int32)
  out_t = _make_gather_t(V, D, B)(ids, embedding_table.T)
  return out_t.T

# --- scband reference (transcript-rebuilt; emitter-appended) ---
"""Pipeline reference for scband-speaker-encoder-16458314678858 (READ-ONLY COPY).

The authoritative reference and input builder live on the scoring server;
editing this copy changes nothing except your own understanding.
"""

import jax, jax.numpy as jnp
import numpy as np

NUM_SPEAKERS = 100000
EMBED_DIM = 64
BATCH = 16384

def setup_inputs(seed: int = 0) -> dict:
    key = jax.random.key(seed)
    k_ids, k_table = jax.random.split(key)
    speaker_ids = jax.random.randint(k_ids, (BATCH,), 0, NUM_SPEAKERS, dtype=jnp.int64 if jax.config.read('jax_enable_x64') else jnp.int32)
    # Embedding table initialized like nn.Embedding (N(0,1))
    embedding_table = jax.random.normal(k_table, (NUM_SPEAKERS, EMBED_DIM), dtype=jnp.float32)
    return {"speaker_ids": speaker_ids, "embedding_table": embedding_table}

def reference(speaker_ids, embedding_table):
    # SpeakerEncoder.forward with speaker_ids path: self.embedding(speaker_ids)
    return jnp.take(embedding_table, speaker_ids, axis=0)

if __name__ == "__main__":
    import jax
    _d = setup_inputs()
    print(jax.jit(kernel)(*tuple(_d.values())))

</pallas_src>

<mosaic_0001>
#map = affine_map<(d0, d1) -> (0)>
#map1 = affine_map<(d0, d1) -> (0, 0)>
module attributes {stable_mosaic.version = 14 : i64} {
  func.func @gather_kernel(%arg0: i32, %arg1: i32, %arg2: memref<16384xi32, #tpu.memory_space<hbm>>, %arg3: memref<64x100000xf32, #tpu.memory_space<hbm>>, %arg4: memref<64x16384xf32, #tpu.memory_space<hbm>>, %arg5: memref<100000xf32, #tpu.memory_space<vmem>>, %arg6: memref<16384xi32, #tpu.memory_space<vmem>>, %arg7: memref<2x4096xf32, #tpu.memory_space<vmem>>, %arg8: memref<!tpu.dma_semaphore, #tpu.memory_space<semaphore_mem>>, %arg9: memref<!tpu.dma_semaphore, #tpu.memory_space<semaphore_mem>>, %arg10: memref<!tpu.dma_semaphore, #tpu.memory_space<semaphore_mem>>) attributes {dimension_semantics = [#tpu.dimension_semantics<core_parallel>, #tpu.dimension_semantics<subcore_parallel>], iteration_bounds = array<i64: 2, 16>, scalar_prefetch = 0 : i64, scratch_operands = 6 : i64, tpu.core_type = #tpu.core_type<sc_vector_subcore>, window_params = [{transform_indices = #map}, {transform_indices = #map1}, {transform_indices = #map1}]} {
    %mul3A = arith.constant 2 : i32
    %mul3A_0 = arith.muli %arg1, %mul3A : i32
    %add3A = arith.addi %mul3A_0, %arg0 : i32
    %mul3A_1 = arith.constant 2 : i32
    %mul3A_2 = arith.muli %add3A, %mul3A_1 : i32
    %jit3A = arith.constant 8 : i32
    %eq3A = arith.constant 0 : i32
    %eq3A_3 = arith.cmpi eq, %jit3A, %eq3A : i32
    %jit3A_4 = arith.constant 1 : i32
    %select_n3A = arith.select %eq3A_3, %jit3A_4, %jit3A : i32
    %rem3A = arith.remsi %add3A, %select_n3A : i32
    %ne3A = arith.constant 0 : i32
    %ne3A_5 = arith.cmpi ne, %rem3A, %ne3A : i32
    %lt3A = arith.constant 0 : i32
    %lt3A_6 = arith.cmpi slt, %rem3A, %lt3A : i32
    %lt3A_7 = arith.constant 0 : i32
    %lt3A_8 = arith.cmpi slt, %select_n3A, %lt3A_7 : i32
    %ne3A_9 = arith.xori %lt3A_6, %lt3A_8 : i1
    %and3A = arith.andi %ne3A_9, %ne3A_5 : i1
    %add3A_10 = arith.addi %rem3A, %select_n3A : i32
    %select_n3A_11 = arith.select %and3A, %add3A_10, %rem3A : i32
    %mul3A_12 = arith.constant 2048 : i32
    %mul3A_13 = arith.muli %select_n3A_11, %mul3A_12 : i32
    %add3A_14 = arith.constant 0 : i32
    %add3A_15 = arith.addi %mul3A_13, %add3A_14 : i32
    %rem3A_16 = arith.constant 16384 : i32
    %rem3A_17 = arith.remsi %add3A_15, %rem3A_16 : i32
    %dma_start3A = tpu.memref_slice %arg6[%rem3A_17] : memref<16384xi32, #tpu.memory_space<vmem>> -> memref<2048xi32, #tpu.memory_space<vmem>>
    %dma_start3A_18 = tpu.memref_slice %arg2[%rem3A_17] : memref<16384xi32, #tpu.memory_space<hbm>> -> memref<2048xi32, #tpu.memory_space<hbm>>
    %dma_start3A_19 = tpu.memref_slice %arg6[%rem3A_17] : memref<16384xi32, #tpu.memory_space<vmem>> -> memref<2048xi32, #tpu.memory_space<vmem>>
    %dma_start3A_20 = tpu.memref_slice %arg2[%rem3A_17] : memref<16384xi32, #tpu.memory_space<hbm>> -> memref<2048xi32, #tpu.memory_space<hbm>>
    tpu.enqueue_dma source(%dma_start3A_20 : memref<2048xi32, #tpu.memory_space<hbm>>) target(%dma_start3A_19 : memref<2048xi32, #tpu.memory_space<vmem>>) target_semaphore(%arg8 : memref<!tpu.dma_semaphore, #tpu.memory_space<semaphore_mem>>)
    %add3A_21 = arith.constant 2048 : i32
    %add3A_22 = arith.addi %mul3A_13, %add3A_21 : i32
    %rem3A_23 = arith.constant 16384 : i32
    %rem3A_24 = arith.remsi %add3A_22, %rem3A_23 : i32
    %dma_start3A_25 = tpu.memref_slice %arg6[%rem3A_24] : memref<16384xi32, #tpu.memory_space<vmem>> -> memref<2048xi32, #tpu.memory_space<vmem>>
    %dma_start3A_26 = tpu.memref_slice %arg2[%rem3A_24] : memref<16384xi32, #tpu.memory_space<hbm>> -> memref<2048xi32, #tpu.memory_space<hbm>>
    %dma_start3A_27 = tpu.memref_slice %arg6[%rem3A_24] : memref<16384xi32, #tpu.memory_space<vmem>> -> memref<2048xi32, #tpu.memory_space<vmem>>
    %dma_start3A_28 = tpu.memref_slice %arg2[%rem3A_24] : memref<16384xi32, #tpu.memory_space<hbm>> -> memref<2048xi32, #tpu.memory_space<hbm>>
    tpu.enqueue_dma source(%dma_start3A_28 : memref<2048xi32, #tpu.memory_space<hbm>>) target(%dma_start3A_27 : memref<2048xi32, #tpu.memory_space<vmem>>) target_semaphore(%arg8 : memref<!tpu.dma_semaphore, #tpu.memory_space<semaphore_mem>>)
    %add3A_29 = arith.constant 4096 : i32
    %add3A_30 = arith.addi %mul3A_13, %add3A_29 : i32
    %rem3A_31 = arith.constant 16384 : i32
    %rem3A_32 = arith.remsi %add3A_30, %rem3A_31 : i32
    %dma_start3A_33 = tpu.memref_slice %arg6[%rem3A_32] : memref<16384xi32, #tpu.memory_space<vmem>> -> memref<2048xi32, #tpu.memory_space<vmem>>
    %dma_start3A_34 = tpu.memref_slice %arg2[%rem3A_32] : memref<16384xi32, #tpu.memory_space<hbm>> -> memref<2048xi32, #tpu.memory_space<hbm>>
    %dma_start3A_35 = tpu.memref_slice %arg6[%rem3A_32] : memref<16384xi32, #tpu.memory_space<vmem>> -> memref<2048xi32, #tpu.memory_space<vmem>>
    %dma_start3A_36 = tpu.memref_slice %arg2[%rem3A_32] : memref<16384xi32, #tpu.memory_space<hbm>> -> memref<2048xi32, #tpu.memory_space<hbm>>
    tpu.enqueue_dma source(%dma_start3A_36 : memref<2048xi32, #tpu.memory_space<hbm>>) target(%dma_start3A_35 : memref<2048xi32, #tpu.memory_space<vmem>>) target_semaphore(%arg8 : memref<!tpu.dma_semaphore, #tpu.memory_space<semaphore_mem>>)
    %add3A_37 = arith.constant 6144 : i32
    %add3A_38 = arith.addi %mul3A_13, %add3A_37 : i32
    %rem3A_39 = arith.constant 16384 : i32
    %rem3A_40 = arith.remsi %add3A_38, %rem3A_39 : i32
    %dma_start3A_41 = tpu.memref_slice %arg6[%rem3A_40] : memref<16384xi32, #tpu.memory_space<vmem>> -> memref<2048xi32, #tpu.memory_space<vmem>>
    %dma_start3A_42 = tpu.memref_slice %arg2[%rem3A_40] : memref<16384xi32, #tpu.memory_space<hbm>> -> memref<2048xi32, #tpu.memory_space<hbm>>
    %dma_start3A_43 = tpu.memref_slice %arg6[%rem3A_40] : memref<16384xi32, #tpu.memory_space<vmem>> -> memref<2048xi32, #tpu.memory_space<vmem>>
    %dma_start3A_44 = tpu.memref_slice %arg2[%rem3A_40] : memref<16384xi32, #tpu.memory_space<hbm>> -> memref<2048xi32, #tpu.memory_space<hbm>>
    tpu.enqueue_dma source(%dma_start3A_44 : memref<2048xi32, #tpu.memory_space<hbm>>) target(%dma_start3A_43 : memref<2048xi32, #tpu.memory_space<vmem>>) target_semaphore(%arg8 : memref<!tpu.dma_semaphore, #tpu.memory_space<semaphore_mem>>)
    %add3A_45 = arith.constant 8192 : i32
    %add3A_46 = arith.addi %mul3A_13, %add3A_45 : i32
    %rem3A_47 = arith.constant 16384 : i32
    %rem3A_48 = arith.remsi %add3A_46, %rem3A_47 : i32
    %dma_start3A_49 = tpu.memref_slice %arg6[%rem3A_48] : memref<16384xi32, #tpu.memory_space<vmem>> -> memref<2048xi32, #tpu.memory_space<vmem>>
    %dma_start3A_50 = tpu.memref_slice %arg2[%rem3A_48] : memref<16384xi32, #tpu.memory_space<hbm>> -> memref<2048xi32, #tpu.memory_space<hbm>>
    %dma_start3A_51 = tpu.memref_slice %arg6[%rem3A_48] : memref<16384xi32, #tpu.memory_space<vmem>> -> memref<2048xi32, #tpu.memory_space<vmem>>
    %dma_start3A_52 = tpu.memref_slice %arg2[%rem3A_48] : memref<16384xi32, #tpu.memory_space<hbm>> -> memref<2048xi32, #tpu.memory_space<hbm>>
    tpu.enqueue_dma source(%dma_start3A_52 : memref<2048xi32, #tpu.memory_space<hbm>>) target(%dma_start3A_51 : memref<2048xi32, #tpu.memory_space<vmem>>) target_semaphore(%arg8 : memref<!tpu.dma_semaphore, #tpu.memory_space<semaphore_mem>>)
    %add3A_53 = arith.constant 10240 : i32
    %add3A_54 = arith.addi %mul3A_13, %add3A_53 : i32
    %rem3A_55 = arith.constant 16384 : i32
    %rem3A_56 = arith.remsi %add3A_54, %rem3A_55 : i32
    %dma_start3A_57 = tpu.memref_slice %arg6[%rem3A_56] : memref<16384xi32, #tpu.memory_space<vmem>> -> memref<2048xi32, #tpu.memory_space<vmem>>
    %dma_start3A_58 = tpu.memref_slice %arg2[%rem3A_56] : memref<16384xi32, #tpu.memory_space<hbm>> -> memref<2048xi32, #tpu.memory_space<hbm>>
    %dma_start3A_59 = tpu.memref_slice %arg6[%rem3A_56] : memref<16384xi32, #tpu.memory_space<vmem>> -> memref<2048xi32, #tpu.memory_space<vmem>>
    %dma_start3A_60 = tpu.memref_slice %arg2[%rem3A_56] : memref<16384xi32, #tpu.memory_space<hbm>> -> memref<2048xi32, #tpu.memory_space<hbm>>
    tpu.enqueue_dma source(%dma_start3A_60 : memref<2048xi32, #tpu.memory_space<hbm>>) target(%dma_start3A_59 : memref<2048xi32, #tpu.memory_space<vmem>>) target_semaphore(%arg8 : memref<!tpu.dma_semaphore, #tpu.memory_space<semaphore_mem>>)
    %add3A_61 = arith.constant 12288 : i32
    %add3A_62 = arith.addi %mul3A_13, %add3A_61 : i32
    %rem3A_63 = arith.constant 16384 : i32
    %rem3A_64 = arith.remsi %add3A_62, %rem3A_63 : i32
    %dma_start3A_65 = tpu.memref_slice %arg6[%rem3A_64] : memref<16384xi32, #tpu.memory_space<vmem>> -> memref<2048xi32, #tpu.memory_space<vmem>>
    %dma_start3A_66 = tpu.memref_slice %arg2[%rem3A_64] : memref<16384xi32, #tpu.memory_space<hbm>> -> memref<2048xi32, #tpu.memory_space<hbm>>
    %dma_start3A_67 = tpu.memref_slice %arg6[%rem3A_64] : memref<16384xi32, #tpu.memory_space<vmem>> -> memref<2048xi32, #tpu.memory_space<vmem>>
    %dma_start3A_68 = tpu.memref_slice %arg2[%rem3A_64] : memref<16384xi32, #tpu.memory_space<hbm>> -> memref<2048xi32, #tpu.memory_space<hbm>>
    tpu.enqueue_dma source(%dma_start3A_68 : memref<2048xi32, #tpu.memory_space<hbm>>) target(%dma_start3A_67 : memref<2048xi32, #tpu.memory_space<vmem>>) target_semaphore(%arg8 : memref<!tpu.dma_semaphore, #tpu.memory_space<semaphore_mem>>)
    %add3A_69 = arith.constant 14336 : i32
    %add3A_70 = arith.addi %mul3A_13, %add3A_69 : i32
    %rem3A_71 = arith.constant 16384 : i32
    %rem3A_72 = arith.remsi %add3A_70, %rem3A_71 : i32
    %dma_start3A_73 = tpu.memref_slice %arg6[%rem3A_72] : memref<16384xi32, #tpu.memory_space<vmem>> -> memref<2048xi32, #tpu.memory_space<vmem>>
    %dma_start3A_74 = tpu.memref_slice %arg2[%rem3A_72] : memref<16384xi32, #tpu.memory_space<hbm>> -> memref<2048xi32, #tpu.memory_space<hbm>>
    %dma_start3A_75 = tpu.memref_slice %arg6[%rem3A_72] : memref<16384xi32, #tpu.memory_space<vmem>> -> memref<2048xi32, #tpu.memory_space<vmem>>
    %dma_start3A_76 = tpu.memref_slice %arg2[%rem3A_72] : memref<16384xi32, #tpu.memory_space<hbm>> -> memref<2048xi32, #tpu.memory_space<hbm>>
    tpu.enqueue_dma source(%dma_start3A_76 : memref<2048xi32, #tpu.memory_space<hbm>>) target(%dma_start3A_75 : memref<2048xi32, #tpu.memory_space<vmem>>) target_semaphore(%arg8 : memref<!tpu.dma_semaphore, #tpu.memory_space<semaphore_mem>>)
    %dma_start3A_77 = arith.constant 0 : i32
    %dma_start3A_78 = tpu.memref_slice %arg3[%mul3A_2, %dma_start3A_77] : memref<64x100000xf32, #tpu.memory_space<hbm>> -> memref<1x100000xf32, #tpu.memory_space<hbm>>
    %dma_start3A_79 = tpu.memref_squeeze %dma_start3A_78 : memref<1x100000xf32, #tpu.memory_space<hbm>> -> memref<100000xf32, #tpu.memory_space<hbm>>
    %dma_start3A_80 = arith.constant 0 : i32
    %dma_start3A_81 = tpu.memref_slice %arg3[%mul3A_2, %dma_start3A_80] : memref<64x100000xf32, #tpu.memory_space<hbm>> -> memref<1x100000xf32, #tpu.memory_space<hbm>>
    %dma_start3A_82 = tpu.memref_squeeze %dma_start3A_81 : memref<1x100000xf32, #tpu.memory_space<hbm>> -> memref<100000xf32, #tpu.memory_space<hbm>>
    tpu.enqueue_dma source(%dma_start3A_82 : memref<100000xf32, #tpu.memory_space<hbm>>) target(%arg5 : memref<100000xf32, #tpu.memory_space<vmem>>) target_semaphore(%arg9 : memref<!tpu.dma_semaphore, #tpu.memory_space<semaphore_mem>>)
    %dma_wait3A = tpu.memref_slice %arg6[%rem3A_17] : memref<16384xi32, #tpu.memory_space<vmem>> -> memref<2048xi32, #tpu.memory_space<vmem>>
    %dma_wait3A_83 = tpu.memref_slice %arg2[%rem3A_17] : memref<16384xi32, #tpu.memory_space<hbm>> -> memref<2048xi32, #tpu.memory_space<hbm>>
    %dma_wait3A_84 = tpu.memref_slice %arg6[%rem3A_17] : memref<16384xi32, #tpu.memory_space<vmem>> -> memref<2048xi32, #tpu.memory_space<vmem>>
    %dma_wait3A_85 = tpu.memref_slice %arg2[%rem3A_17] : memref<16384xi32, #tpu.memory_space<hbm>> -> memref<2048xi32, #tpu.memory_space<hbm>>
    tpu.wait_dma2 semaphore(%arg8 : memref<!tpu.dma_semaphore, #tpu.memory_space<semaphore_mem>>) src(%dma_wait3A_85 : memref<2048xi32, #tpu.memory_space<hbm>>) dst(%dma_wait3A_84 : memref<2048xi32, #tpu.memory_space<vmem>>)
    %dma_wait3A_86 = tpu.memref_slice %arg6[%rem3A_24] : memref<16384xi32, #tpu.memory_space<vmem>> -> memref<2048xi32, #tpu.memory_space<vmem>>
    %dma_wait3A_87 = tpu.memref_slice %arg2[%rem3A_24] : memref<16384xi32, #tpu.memory_space<hbm>> -> memref<2048xi32, #tpu.memory_space<hbm>>
    %dma_wait3A_88 = tpu.memref_slice %arg6[%rem3A_24] : memref<16384xi32, #tpu.memory_space<vmem>> -> memref<2048xi32, #tpu.memory_space<vmem>>
    %dma_wait3A_89 = tpu.memref_slice %arg2[%rem3A_24] : memref<16384xi32, #tpu.memory_space<hbm>> -> memref<2048xi32, #tpu.memory_space<hbm>>
    tpu.wait_dma2 semaphore(%arg8 : memref<!tpu.dma_semaphore, #tpu.memory_space<semaphore_mem>>) src(%dma_wait3A_89 : memref<2048xi32, #tpu.memory_space<hbm>>) dst(%dma_wait3A_88 : memref<2048xi32, #tpu.memory_space<vmem>>)
    %dma_wait3A_90 = tpu.memref_slice %arg6[%rem3A_32] : memref<16384xi32, #tpu.memory_space<vmem>> -> memref<2048xi32, #tpu.memory_space<vmem>>
    %dma_wait3A_91 = tpu.memref_slice %arg2[%rem3A_32] : memref<16384xi32, #tpu.memory_space<hbm>> -> memref<2048xi32, #tpu.memory_space<hbm>>
    %dma_wait3A_92 = tpu.memref_slice %arg6[%rem3A_32] : memref<16384xi32, #tpu.memory_space<vmem>> -> memref<2048xi32, #tpu.memory_space<vmem>>
    %dma_wait3A_93 = tpu.memref_slice %arg2[%rem3A_32] : memref<16384xi32, #tpu.memory_space<hbm>> -> memref<2048xi32, #tpu.memory_space<hbm>>
    tpu.wait_dma2 semaphore(%arg8 : memref<!tpu.dma_semaphore, #tpu.memory_space<semaphore_mem>>) src(%dma_wait3A_93 : memref<2048xi32, #tpu.memory_space<hbm>>) dst(%dma_wait3A_92 : memref<2048xi32, #tpu.memory_space<vmem>>)
    %dma_wait3A_94 = tpu.memref_slice %arg6[%rem3A_40] : memref<16384xi32, #tpu.memory_space<vmem>> -> memref<2048xi32, #tpu.memory_space<vmem>>
    %dma_wait3A_95 = tpu.memref_slice %arg2[%rem3A_40] : memref<16384xi32, #tpu.memory_space<hbm>> -> memref<2048xi32, #tpu.memory_space<hbm>>
    %dma_wait3A_96 = tpu.memref_slice %arg6[%rem3A_40] : memref<16384xi32, #tpu.memory_space<vmem>> -> memref<2048xi32, #tpu.memory_space<vmem>>
    %dma_wait3A_97 = tpu.memref_slice %arg2[%rem3A_40] : memref<16384xi32, #tpu.memory_space<hbm>> -> memref<2048xi32, #tpu.memory_space<hbm>>
    tpu.wait_dma2 semaphore(%arg8 : memref<!tpu.dma_semaphore, #tpu.memory_space<semaphore_mem>>) src(%dma_wait3A_97 : memref<2048xi32, #tpu.memory_space<hbm>>) dst(%dma_wait3A_96 : memref<2048xi32, #tpu.memory_space<vmem>>)
    %dma_wait3A_98 = tpu.memref_slice %arg6[%rem3A_48] : memref<16384xi32, #tpu.memory_space<vmem>> -> memref<2048xi32, #tpu.memory_space<vmem>>
    %dma_wait3A_99 = tpu.memref_slice %arg2[%rem3A_48] : memref<16384xi32, #tpu.memory_space<hbm>> -> memref<2048xi32, #tpu.memory_space<hbm>>
    %dma_wait3A_100 = tpu.memref_slice %arg6[%rem3A_48] : memref<16384xi32, #tpu.memory_space<vmem>> -> memref<2048xi32, #tpu.memory_space<vmem>>
    %dma_wait3A_101 = tpu.memref_slice %arg2[%rem3A_48] : memref<16384xi32, #tpu.memory_space<hbm>> -> memref<2048xi32, #tpu.memory_space<hbm>>
    tpu.wait_dma2 semaphore(%arg8 : memref<!tpu.dma_semaphore, #tpu.memory_space<semaphore_mem>>) src(%dma_wait3A_101 : memref<2048xi32, #tpu.memory_space<hbm>>) dst(%dma_wait3A_100 : memref<2048xi32, #tpu.memory_space<vmem>>)
    %dma_wait3A_102 = tpu.memref_slice %arg6[%rem3A_56] : memref<16384xi32, #tpu.memory_space<vmem>> -> memref<2048xi32, #tpu.memory_space<vmem>>
    %dma_wait3A_103 = tpu.memref_slice %arg2[%rem3A_56] : memref<16384xi32, #tpu.memory_space<hbm>> -> memref<2048xi32, #tpu.memory_space<hbm>>
    %dma_wait3A_104 = tpu.memref_slice %arg6[%rem3A_56] : memref<16384xi32, #tpu.memory_space<vmem>> -> memref<2048xi32, #tpu.memory_space<vmem>>
    %dma_wait3A_105 = tpu.memref_slice %arg2[%rem3A_56] : memref<16384xi32, #tpu.memory_space<hbm>> -> memref<2048xi32, #tpu.memory_space<hbm>>
    tpu.wait_dma2 semaphore(%arg8 : memref<!tpu.dma_semaphore, #tpu.memory_space<semaphore_mem>>) src(%dma_wait3A_105 : memref<2048xi32, #tpu.memory_space<hbm>>) dst(%dma_wait3A_104 : memref<2048xi32, #tpu.memory_space<vmem>>)
    %dma_wait3A_106 = tpu.memref_slice %arg6[%rem3A_64] : memref<16384xi32, #tpu.memory_space<vmem>> -> memref<2048xi32, #tpu.memory_space<vmem>>
    %dma_wait3A_107 = tpu.memref_slice %arg2[%rem3A_64] : memref<16384xi32, #tpu.memory_space<hbm>> -> memref<2048xi32, #tpu.memory_space<hbm>>
    %dma_wait3A_108 = tpu.memref_slice %arg6[%rem3A_64] : memref<16384xi32, #tpu.memory_space<vmem>> -> memref<2048xi32, #tpu.memory_space<vmem>>
    %dma_wait3A_109 = tpu.memref_slice %arg2[%rem3A_64] : memref<16384xi32, #tpu.memory_space<hbm>> -> memref<2048xi32, #tpu.memory_space<hbm>>
    tpu.wait_dma2 semaphore(%arg8 : memref<!tpu.dma_semaphore, #tpu.memory_space<semaphore_mem>>) src(%dma_wait3A_109 : memref<2048xi32, #tpu.memory_space<hbm>>) dst(%dma_wait3A_108 : memref<2048xi32, #tpu.memory_space<vmem>>)
    %dma_wait3A_110 = tpu.memref_slice %arg6[%rem3A_72] : memref<16384xi32, #tpu.memory_space<vmem>> -> memref<2048xi32, #tpu.memory_space<vmem>>
    %dma_wait3A_111 = tpu.memref_slice %arg2[%rem3A_72] : memref<16384xi32, #tpu.memory_space<hbm>> -> memref<2048xi32, #tpu.memory_space<hbm>>
    %dma_wait3A_112 = tpu.memref_slice %arg6[%rem3A_72] : memref<16384xi32, #tpu.memory_space<vmem>> -> memref<2048xi32, #tpu.memory_space<vmem>>
    %dma_wait3A_113 = tpu.memref_slice %arg2[%rem3A_72] : memref<16384xi32, #tpu.memory_space<hbm>> -> memref<2048xi32, #tpu.memory_space<hbm>>
    tpu.wait_dma2 semaphore(%arg8 : memref<!tpu.dma_semaphore, #tpu.memory_space<semaphore_mem>>) src(%dma_wait3A_113 : memref<2048xi32, #tpu.memory_space<hbm>>) dst(%dma_wait3A_112 : memref<2048xi32, #tpu.memory_space<vmem>>)
    %add3A_114 = arith.constant 0 : i32
    %add3A_115 = arith.addi %mul3A_2, %add3A_114 : i32
    %dma_wait3A_116 = arith.constant 0 : i32
    %dma_wait3A_117 = tpu.memref_slice %arg3[%mul3A_2, %dma_wait3A_116] : memref<64x100000xf32, #tpu.memory_space<hbm>> -> memref<1x100000xf32, #tpu.memory_space<hbm>>
    %dma_wait3A_118 = tpu.memref_squeeze %dma_wait3A_117 : memref<1x100000xf32, #tpu.memory_space<hbm>> -> memref<100000xf32, #tpu.memory_space<hbm>>
    %dma_wait3A_119 = arith.constant 0 : i32
    %dma_wait3A_120 = tpu.memref_slice %arg3[%mul3A_2, %dma_wait3A_119] : memref<64x100000xf32, #tpu.memory_space<hbm>> -> memref<1x100000xf32, #tpu.memory_space<hbm>>
    %dma_wait3A_121 = tpu.memref_squeeze %dma_wait3A_120 : memref<1x100000xf32, #tpu.memory_space<hbm>> -> memref<100000xf32, #tpu.memory_space<hbm>>
    tpu.wait_dma2 semaphore(%arg9 : memref<!tpu.dma_semaphore, #tpu.memory_space<semaphore_mem>>) src(%dma_wait3A_121 : memref<100000xf32, #tpu.memory_space<hbm>>) dst(%arg5 : memref<100000xf32, #tpu.memory_space<vmem>>)
    %parallel_loop3A = arith.constant 0 : i32
    %parallel_loop3A_122 = arith.constant 4096 : i32
    %parallel_loop3A_123 = arith.constant 16 : i32
    scf.for %parallel_loop3A_369 = %parallel_loop3A to %parallel_loop3A_122 step %parallel_loop3A_123  : i32 {
      %parallel_loop3A_370 = arith.constant 0 : i32
      %parallel_loop3A_371 = arith.addi %parallel_loop3A_370, %parallel_loop3A_369 : i32
      %parallel_loop3A_372 = arith.index_cast %parallel_loop3A_371 : i32 to index
      %parallel_loop3A_373 = tpu.vector_load %arg6[%parallel_loop3A_372] {strides = array<i32>} : memref<16384xi32, #tpu.memory_space<vmem>>, vector<16xi32>,
      %parallel_loop3A_374 = tpu.vector_load_idx %arg5[%parallel_loop3A_373] : memref<100000xf32, #tpu.memory_space<vmem>>[vector<16xi32>], vector<16xf32>,
      %parallel_loop3A_375 = arith.constant 0 : i32
      %parallel_loop3A_376 = arith.index_cast %parallel_loop3A_375 : i32 to index
      %parallel_loop3A_377 = arith.index_cast %parallel_loop3A_369 : i32 to index
      %parallel_loop3A_378 = tpu.vector_load %arg7[%parallel_loop3A_376, %parallel_loop3A_377] {strides = array<i32>} : memref<2x4096xf32, #tpu.memory_space<vmem>>, vector<16xf32>,
      tpu.vector_store %arg7[%parallel_loop3A_376, %parallel_loop3A_377], %parallel_loop3A_374 {strides = array<i32>} : memref<2x4096xf32, #tpu.memory_space<vmem>>, vector<16xf32>,
    } {sc.loop_unroll_factor = 8 : i64, sc.parallel_access}
    %dma_start3A_124 = arith.constant 0 : i32
    %dma_start3A_125 = arith.constant 0 : i32
    %dma_start3A_126 = tpu.memref_slice %arg7[%dma_start3A_124, %dma_start3A_125] : memref<2x4096xf32, #tpu.memory_space<vmem>> -> memref<1x4096xf32, #tpu.memory_space<vmem>>
    %dma_start3A_127 = tpu.memref_squeeze %dma_start3A_126 : memref<1x4096xf32, #tpu.memory_space<vmem>> -> memref<4096xf32, #tpu.memory_space<vmem>>
    %dma_start3A_128 = arith.constant 0 : i32
    %dma_start3A_129 = tpu.memref_slice %arg4[%add3A_115, %dma_start3A_128] : memref<64x16384xf32, #tpu.memory_space<hbm>> -> memref<1x4096xf32, #tpu.memory_space<hbm>>
    %dma_start3A_130 = tpu.memref_squeeze %dma_start3A_129 : memref<1x4096xf32, #tpu.memory_space<hbm>> -> memref<4096xf32, #tpu.memory_space<hbm>>
    %dma_start3A_131 = arith.constant 0 : i32
    %dma_start3A_132 = tpu.memref_slice %arg4[%add3A_115, %dma_start3A_131] : memref<64x16384xf32, #tpu.memory_space<hbm>> -> memref<1x4096xf32, #tpu.memory_space<hbm>>
    %dma_start3A_133 = tpu.memref_squeeze %dma_start3A_132 : memref<1x4096xf32, #tpu.memory_space<hbm>> -> memref<4096xf32, #tpu.memory_space<hbm>>
    %dma_start3A_134 = arith.constant 0 : i32
    %dma_start3A_135 = tpu.memref_slice %arg7[%dma_start3A_124, %dma_start3A_134] : memref<2x4096xf32, #tpu.memory_space<vmem>> -> memref<1x4096xf32, #tpu.memory_space<vmem>>
    %dma_start3A_136 = tpu.memref_squeeze %dma_start3A_135 : memref<1x4096xf32, #tpu.memory_space<vmem>> -> memref<4096xf32, #tpu.memory_space<vmem>>
    tpu.enqueue_dma source(%dma_start3A_136 : memref<4096xf32, #tpu.memory_space<vmem>>) target(%dma_start3A_133 : memref<4096xf32, #tpu.memory_space<hbm>>) target_semaphore(%arg10 : memref<!tpu.dma_semaphore, #tpu.memory_space<semaphore_mem>>)
    %parallel_loop3A_137 = arith.constant 0 : i32
    %parallel_loop3A_138 = arith.constant 4096 : i32
    %parallel_loop3A_139 = arith.constant 16 : i32
    scf.for %parallel_loop3A_369 = %parallel_loop3A_137 to %parallel_loop3A_138 step %parallel_loop3A_139  : i32 {
      %parallel_loop3A_370 = arith.constant 4096 : i32
      %parallel_loop3A_371 = arith.addi %parallel_loop3A_370, %parallel_loop3A_369 : i32
      %parallel_loop3A_372 = arith.index_cast %parallel_loop3A_371 : i32 to index
      %parallel_loop3A_373 = tpu.vector_load %arg6[%parallel_loop3A_372] {strides = array<i32>} : memref<16384xi32, #tpu.memory_space<vmem>>, vector<16xi32>,
      %parallel_loop3A_374 = tpu.vector_load_idx %arg5[%parallel_loop3A_373] : memref<100000xf32, #tpu.memory_space<vmem>>[vector<16xi32>], vector<16xf32>,
      %parallel_loop3A_375 = arith.constant 1 : i32
      %parallel_loop3A_376 = arith.index_cast %parallel_loop3A_375 : i32 to index
      %parallel_loop3A_377 = arith.index_cast %parallel_loop3A_369 : i32 to index
      %parallel_loop3A_378 = tpu.vector_load %arg7[%parallel_loop3A_376, %parallel_loop3A_377] {strides = array<i32>} : memref<2x4096xf32, #tpu.memory_space<vmem>>, vector<16xf32>,
      tpu.vector_store %arg7[%parallel_loop3A_376, %parallel_loop3A_377], %parallel_loop3A_374 {strides = array<i32>} : memref<2x4096xf32, #tpu.memory_space<vmem>>, vector<16xf32>,
    } {sc.loop_unroll_factor = 8 : i64, sc.parallel_access}
    %dma_start3A_140 = arith.constant 1 : i32
    %dma_start3A_141 = arith.constant 0 : i32
    %dma_start3A_142 = tpu.memref_slice %arg7[%dma_start3A_140, %dma_start3A_141] : memref<2x4096xf32, #tpu.memory_space<vmem>> -> memref<1x4096xf32, #tpu.memory_space<vmem>>
    %dma_start3A_143 = tpu.memref_squeeze %dma_start3A_142 : memref<1x4096xf32, #tpu.memory_space<vmem>> -> memref<4096xf32, #tpu.memory_space<vmem>>
    %dma_start3A_144 = arith.constant 4096 : i32
    %dma_start3A_145 = tpu.memref_slice %arg4[%add3A_115, %dma_start3A_144] : memref<64x16384xf32, #tpu.memory_space<hbm>> -> memref<1x4096xf32, #tpu.memory_space<hbm>>
    %dma_start3A_146 = tpu.memref_squeeze %dma_start3A_145 : memref<1x4096xf32, #tpu.memory_space<hbm>> -> memref<4096xf32, #tpu.memory_space<hbm>>
    %dma_start3A_147 = arith.constant 4096 : i32
    %dma_start3A_148 = tpu.memref_slice %arg4[%add3A_115, %dma_start3A_147] : memref<64x16384xf32, #tpu.memory_space<hbm>> -> memref<1x4096xf32, #tpu.memory_space<hbm>>
    %dma_start3A_149 = tpu.memref_squeeze %dma_start3A_148 : memref<1x4096xf32, #tpu.memory_space<hbm>> -> memref<4096xf32, #tpu.memory_space<hbm>>
    %dma_start3A_150 = arith.constant 0 : i32
    %dma_start3A_151 = tpu.memref_slice %arg7[%dma_start3A_140, %dma_start3A_150] : memref<2x4096xf32, #tpu.memory_space<vmem>> -> memref<1x4096xf32, #tpu.memory_space<vmem>>
    %dma_start3A_152 = tpu.memref_squeeze %dma_start3A_151 : memref<1x4096xf32, #tpu.memory_space<vmem>> -> memref<4096xf32, #tpu.memory_space<vmem>>
    tpu.enqueue_dma source(%dma_start3A_152 : memref<4096xf32, #tpu.memory_space<vmem>>) target(%dma_start3A_149 : memref<4096xf32, #tpu.memory_space<hbm>>) target_semaphore(%arg10 : memref<!tpu.dma_semaphore, #tpu.memory_space<semaphore_mem>>)
    %dma_wait3A_153 = arith.constant 0 : i32
    %dma_wait3A_154 = arith.constant 0 : i32
    %dma_wait3A_155 = tpu.memref_slice %arg7[%dma_wait3A_153, %dma_wait3A_154] : memref<2x4096xf32, #tpu.memory_space<vmem>> -> memref<1x4096xf32, #tpu.memory_space<vmem>>
    %dma_wait3A_156 = tpu.memref_squeeze %dma_wait3A_155 : memref<1x4096xf32, #tpu.memory_space<vmem>> -> memref<4096xf32, #tpu.memory_space<vmem>>
    %dma_wait3A_157 = arith.constant 0 : i32
    %dma_wait3A_158 = tpu.memref_slice %arg4[%add3A_115, %dma_wait3A_157] : memref<64x16384xf32, #tpu.memory_space<hbm>> -> memref<1x4096xf32, #tpu.memory_space<hbm>>
    %dma_wait3A_159 = tpu.memref_squeeze %dma_wait3A_158 : memref<1x4096xf32, #tpu.memory_space<hbm>> -> memref<4096xf32, #tpu.memory_space<hbm>>
    %dma_wait3A_160 = arith.constant 0 : i32
    %dma_wait3A_161 = tpu.memref_slice %arg4[%add3A_115, %dma_wait3A_160] : memref<64x16384xf32, #tpu.memory_space<hbm>> -> memref<1x4096xf32, #tpu.memory_space<hbm>>
    %dma_wait3A_162 = tpu.memref_squeeze %dma_wait3A_161 : memref<1x4096xf32, #tpu.memory_space<hbm>> -> memref<4096xf32, #tpu.memory_space<hbm>>
    %dma_wait3A_163 = arith.constant 0 : i32
    %dma_wait3A_164 = tpu.memref_slice %arg7[%dma_wait3A_153, %dma_wait3A_163] : memref<2x4096xf32, #tpu.memory_space<vmem>> -> memref<1x4096xf32, #tpu.memory_space<vmem>>
    %dma_wait3A_165 = tpu.memref_squeeze %dma_wait3A_164 : memref<1x4096xf32, #tpu.memory_space<vmem>> -> memref<4096xf32, #tpu.memory_space<vmem>>
    tpu.wait_dma2 semaphore(%arg10 : memref<!tpu.dma_semaphore, #tpu.memory_space<semaphore_mem>>) src(%dma_wait3A_165 : memref<4096xf32, #tpu.memory_space<vmem>>) dst(%dma_wait3A_162 : memref<4096xf32, #tpu.memory_space<hbm>>)
    %parallel_loop3A_166 = arith.constant 0 : i32
    %parallel_loop3A_167 = arith.constant 4096 : i32
    %parallel_loop3A_168 = arith.constant 16 : i32
    scf.for %parallel_loop3A_369 = %parallel_loop3A_166 to %parallel_loop3A_167 step %parallel_loop3A_168  : i32 {
      %parallel_loop3A_370 = arith.constant 8192 : i32
      %parallel_loop3A_371 = arith.addi %parallel_loop3A_370, %parallel_loop3A_369 : i32
      %parallel_loop3A_372 = arith.index_cast %parallel_loop3A_371 : i32 to index
      %parallel_loop3A_373 = tpu.vector_load %arg6[%parallel_loop3A_372] {strides = array<i32>} : memref<16384xi32, #tpu.memory_space<vmem>>, vector<16xi32>,
      %parallel_loop3A_374 = tpu.vector_load_idx %arg5[%parallel_loop3A_373] : memref<100000xf32, #tpu.memory_space<vmem>>[vector<16xi32>], vector<16xf32>,
      %parallel_loop3A_375 = arith.constant 0 : i32
      %parallel_loop3A_376 = arith.index_cast %parallel_loop3A_375 : i32 to index
      %parallel_loop3A_377 = arith.index_cast %parallel_loop3A_369 : i32 to index
      %parallel_loop3A_378 = tpu.vector_load %arg7[%parallel_loop3A_376, %parallel_loop3A_377] {strides = array<i32>} : memref<2x4096xf32, #tpu.memory_space<vmem>>, vector<16xf32>,
      tpu.vector_store %arg7[%parallel_loop3A_376, %parallel_loop3A_377], %parallel_loop3A_374 {strides = array<i32>} : memref<2x4096xf32, #tpu.memory_space<vmem>>, vector<16xf32>,
    } {sc.loop_unroll_factor = 8 : i64, sc.parallel_access}
    %dma_start3A_169 = arith.constant 0 : i32
    %dma_start3A_170 = arith.constant 0 : i32
    %dma_start3A_171 = tpu.memref_slice %arg7[%dma_start3A_169, %dma_start3A_170] : memref<2x4096xf32, #tpu.memory_space<vmem>> -> memref<1x4096xf32, #tpu.memory_space<vmem>>
    %dma_start3A_172 = tpu.memref_squeeze %dma_start3A_171 : memref<1x4096xf32, #tpu.memory_space<vmem>> -> memref<4096xf32, #tpu.memory_space<vmem>>
    %dma_start3A_173 = arith.constant 8192 : i32
    %dma_start3A_174 = tpu.memref_slice %arg4[%add3A_115, %dma_start3A_173] : memref<64x16384xf32, #tpu.memory_space<hbm>> -> memref<1x4096xf32, #tpu.memory_space<hbm>>
    %dma_start3A_175 = tpu.memref_squeeze %dma_start3A_174 : memref<1x4096xf32, #tpu.memory_space<hbm>> -> memref<4096xf32, #tpu.memory_space<hbm>>
    %dma_start3A_176 = arith.constant 8192 : i32
    %dma_start3A_177 = tpu.memref_slice %arg4[%add3A_115, %dma_start3A_176] : memref<64x16384xf32, #tpu.memory_space<hbm>> -> memref<1x4096xf32, #tpu.memory_space<hbm>>
    %dma_start3A_178 = tpu.memref_squeeze %dma_start3A_177 : memref<1x4096xf32, #tpu.memory_space<hbm>> -> memref<4096xf32, #tpu.memory_space<hbm>>
    %dma_start3A_179 = arith.constant 0 : i32
    %dma_start3A_180 = tpu.memref_slice %arg7[%dma_start3A_169, %dma_start3A_179] : memref<2x4096xf32, #tpu.memory_space<vmem>> -> memref<1x4096xf32, #tpu.memory_space<vmem>>
    %dma_start3A_181 = tpu.memref_squeeze %dma_start3A_180 : memref<1x4096xf32, #tpu.memory_space<vmem>> -> memref<4096xf32, #tpu.memory_space<vmem>>
    tpu.enqueue_dma source(%dma_start3A_181 : memref<4096xf32, #tpu.memory_space<vmem>>) target(%dma_start3A_178 : memref<4096xf32, #tpu.memory_space<hbm>>) target_semaphore(%arg10 : memref<!tpu.dma_semaphore, #tpu.memory_space<semaphore_mem>>)
    %dma_wait3A_182 = arith.constant 1 : i32
    %dma_wait3A_183 = arith.constant 0 : i32
    %dma_wait3A_184 = tpu.memref_slice %arg7[%dma_wait3A_182, %dma_wait3A_183] : memref<2x4096xf32, #tpu.memory_space<vmem>> -> memref<1x4096xf32, #tpu.memory_space<vmem>>
    %dma_wait3A_185 = tpu.memref_squeeze %dma_wait3A_184 : memref<1x4096xf32, #tpu.memory_space<vmem>> -> memref<4096xf32, #tpu.memory_space<vmem>>
    %dma_wait3A_186 = arith.constant 4096 : i32
    %dma_wait3A_187 = tpu.memref_slice %arg4[%add3A_115, %dma_wait3A_186] : memref<64x16384xf32, #tpu.memory_space<hbm>> -> memref<1x4096xf32, #tpu.memory_space<hbm>>
    %dma_wait3A_188 = tpu.memref_squeeze %dma_wait3A_187 : memref<1x4096xf32, #tpu.memory_space<hbm>> -> memref<4096xf32, #tpu.memory_space<hbm>>
    %dma_wait3A_189 = arith.constant 4096 : i32
    %dma_wait3A_190 = tpu.memref_slice %arg4[%add3A_115, %dma_wait3A_189] : memref<64x16384xf32, #tpu.memory_space<hbm>> -> memref<1x4096xf32, #tpu.memory_space<hbm>>
    %dma_wait3A_191 = tpu.memref_squeeze %dma_wait3A_190 : memref<1x4096xf32, #tpu.memory_space<hbm>> -> memref<4096xf32, #tpu.memory_space<hbm>>
    %dma_wait3A_192 = arith.constant 0 : i32
    %dma_wait3A_193 = tpu.memref_slice %arg7[%dma_wait3A_182, %dma_wait3A_192] : memref<2x4096xf32, #tpu.memory_space<vmem>> -> memref<1x4096xf32, #tpu.memory_space<vmem>>
    %dma_wait3A_194 = tpu.memref_squeeze %dma_wait3A_193 : memref<1x4096xf32, #tpu.memory_space<vmem>> -> memref<4096xf32, #tpu.memory_space<vmem>>
    tpu.wait_dma2 semaphore(%arg10 : memref<!tpu.dma_semaphore, #tpu.memory_space<semaphore_mem>>) src(%dma_wait3A_194 : memref<4096xf32, #tpu.memory_space<vmem>>) dst(%dma_wait3A_191 : memref<4096xf32, #tpu.memory_space<hbm>>)
    %parallel_loop3A_195 = arith.constant 0 : i32
    %parallel_loop3A_196 = arith.constant 4096 : i32
    %parallel_loop3A_197 = arith.constant 16 : i32
    scf.for %parallel_loop3A_369 = %parallel_loop3A_195 to %parallel_loop3A_196 step %parallel_loop3A_197  : i32 {
      %parallel_loop3A_370 = arith.constant 12288 : i32
      %parallel_loop3A_371 = arith.addi %parallel_loop3A_370, %parallel_loop3A_369 : i32
      %parallel_loop3A_372 = arith.index_cast %parallel_loop3A_371 : i32 to index
      %parallel_loop3A_373 = tpu.vector_load %arg6[%parallel_loop3A_372] {strides = array<i32>} : memref<16384xi32, #tpu.memory_space<vmem>>, vector<16xi32>,
      %parallel_loop3A_374 = tpu.vector_load_idx %arg5[%parallel_loop3A_373] : memref<100000xf32, #tpu.memory_space<vmem>>[vector<16xi32>], vector<16xf32>,
      %parallel_loop3A_375 = arith.constant 1 : i32
      %parallel_loop3A_376 = arith.index_cast %parallel_loop3A_375 : i32 to index
      %parallel_loop3A_377 = arith.index_cast %parallel_loop3A_369 : i32 to index
      %parallel_loop3A_378 = tpu.vector_load %arg7[%parallel_loop3A_376, %parallel_loop3A_377] {strides = array<i32>} : memref<2x4096xf32, #tpu.memory_space<vmem>>, vector<16xf32>,
      tpu.vector_store %arg7[%parallel_loop3A_376, %parallel_loop3A_377], %parallel_loop3A_374 {strides = array<i32>} : memref<2x4096xf32, #tpu.memory_space<vmem>>, vector<16xf32>,
    } {sc.loop_unroll_factor = 8 : i64, sc.parallel_access}
    %add3A_198 = arith.constant 1 : i32
    %add3A_199 = arith.addi %add3A_115, %add3A_198 : i32
    %dma_start3A_200 = arith.constant 0 : i32
    %dma_start3A_201 = tpu.memref_slice %arg3[%add3A_199, %dma_start3A_200] : memref<64x100000xf32, #tpu.memory_space<hbm>> -> memref<1x100000xf32, #tpu.memory_space<hbm>>
    %dma_start3A_202 = tpu.memref_squeeze %dma_start3A_201 : memref<1x100000xf32, #tpu.memory_space<hbm>> -> memref<100000xf32, #tpu.memory_space<hbm>>
    %dma_start3A_203 = arith.constant 0 : i32
    %dma_start3A_204 = tpu.memref_slice %arg3[%add3A_199, %dma_start3A_203] : memref<64x100000xf32, #tpu.memory_space<hbm>> -> memref<1x100000xf32, #tpu.memory_space<hbm>>
    %dma_start3A_205 = tpu.memref_squeeze %dma_start3A_204 : memref<1x100000xf32, #tpu.memory_space<hbm>> -> memref<100000xf32, #tpu.memory_space<hbm>>
    tpu.enqueue_dma source(%dma_start3A_205 : memref<100000xf32, #tpu.memory_space<hbm>>) target(%arg5 : memref<100000xf32, #tpu.memory_space<vmem>>) target_semaphore(%arg9 : memref<!tpu.dma_semaphore, #tpu.memory_space<semaphore_mem>>)
    %dma_start3A_206 = arith.constant 1 : i32
    %dma_start3A_207 = arith.constant 0 : i32
    %dma_start3A_208 = tpu.memref_slice %arg7[%dma_start3A_206, %dma_start3A_207] : memref<2x4096xf32, #tpu.memory_space<vmem>> -> memref<1x4096xf32, #tpu.memory_space<vmem>>
    %dma_start3A_209 = tpu.memref_squeeze %dma_start3A_208 : memref<1x4096xf32, #tpu.memory_space<vmem>> -> memref<4096xf32, #tpu.memory_space<vmem>>
    %dma_start3A_210 = arith.constant 12288 : i32
    %dma_start3A_211 = tpu.memref_slice %arg4[%add3A_115, %dma_start3A_210] : memref<64x16384xf32, #tpu.memory_space<hbm>> -> memref<1x4096xf32, #tpu.memory_space<hbm>>
    %dma_start3A_212 = tpu.memref_squeeze %dma_start3A_211 : memref<1x4096xf32, #tpu.memory_space<hbm>> -> memref<4096xf32, #tpu.memory_space<hbm>>
    %dma_start3A_213 = arith.constant 12288 : i32
    %dma_start3A_214 = tpu.memref_slice %arg4[%add3A_115, %dma_start3A_213] : memref<64x16384xf32, #tpu.memory_space<hbm>> -> memref<1x4096xf32, #tpu.memory_space<hbm>>
    %dma_start3A_215 = tpu.memref_squeeze %dma_start3A_214 : memref<1x4096xf32, #tpu.memory_space<hbm>> -> memref<4096xf32, #tpu.memory_space<hbm>>
    %dma_start3A_216 = arith.constant 0 : i32
    %dma_start3A_217 = tpu.memref_slice %arg7[%dma_start3A_206, %dma_start3A_216] : memref<2x4096xf32, #tpu.memory_space<vmem>> -> memref<1x4096xf32, #tpu.memory_space<vmem>>
    %dma_start3A_218 = tpu.memref_squeeze %dma_start3A_217 : memref<1x4096xf32, #tpu.memory_space<vmem>> -> memref<4096xf32, #tpu.memory_space<vmem>>
    tpu.enqueue_dma source(%dma_start3A_218 : memref<4096xf32, #tpu.memory_space<vmem>>) target(%dma_start3A_215 : memref<4096xf32, #tpu.memory_space<hbm>>) target_semaphore(%arg10 : memref<!tpu.dma_semaphore, #tpu.memory_space<semaphore_mem>>)
    %add3A_219 = arith.constant 1 : i32
    %add3A_220 = arith.addi %mul3A_2, %add3A_219 : i32
    %dma_wait3A_221 = arith.constant 0 : i32
    %dma_wait3A_222 = tpu.memref_slice %arg3[%add3A_199, %dma_wait3A_221] : memref<64x100000xf32, #tpu.memory_space<hbm>> -> memref<1x100000xf32, #tpu.memory_space<hbm>>
    %dma_wait3A_223 = tpu.memref_squeeze %dma_wait3A_222 : memref<1x100000xf32, #tpu.memory_space<hbm>> -> memref<100000xf32, #tpu.memory_space<hbm>>
    %dma_wait3A_224 = arith.constant 0 : i32
    %dma_wait3A_225 = tpu.memref_slice %arg3[%add3A_199, %dma_wait3A_224] : memref<64x100000xf32, #tpu.memory_space<hbm>> -> memref<1x100000xf32, #tpu.memory_space<hbm>>
    %dma_wait3A_226 = tpu.memref_squeeze %dma_wait3A_225 : memref<1x100000xf32, #tpu.memory_space<hbm>> -> memref<100000xf32, #tpu.memory_space<hbm>>
    tpu.wait_dma2 semaphore(%arg9 : memref<!tpu.dma_semaphore, #tpu.memory_space<semaphore_mem>>) src(%dma_wait3A_226 : memref<100000xf32, #tpu.memory_space<hbm>>) dst(%arg5 : memref<100000xf32, #tpu.memory_space<vmem>>)
    %dma_wait3A_227 = arith.constant 0 : i32
    %dma_wait3A_228 = arith.constant 0 : i32
    %dma_wait3A_229 = tpu.memref_slice %arg7[%dma_wait3A_227, %dma_wait3A_228] : memref<2x4096xf32, #tpu.memory_space<vmem>> -> memref<1x4096xf32, #tpu.memory_space<vmem>>
    %dma_wait3A_230 = tpu.memref_squeeze %dma_wait3A_229 : memref<1x4096xf32, #tpu.memory_space<vmem>> -> memref<4096xf32, #tpu.memory_space<vmem>>
    %dma_wait3A_231 = arith.constant 8192 : i32
    %dma_wait3A_232 = tpu.memref_slice %arg4[%add3A_115, %dma_wait3A_231] : memref<64x16384xf32, #tpu.memory_space<hbm>> -> memref<1x4096xf32, #tpu.memory_space<hbm>>
    %dma_wait3A_233 = tpu.memref_squeeze %dma_wait3A_232 : memref<1x4096xf32, #tpu.memory_space<hbm>> -> memref<4096xf32, #tpu.memory_space<hbm>>
    %dma_wait3A_234 = arith.constant 8192 : i32
    %dma_wait3A_235 = tpu.memref_slice %arg4[%add3A_115, %dma_wait3A_234] : memref<64x16384xf32, #tpu.memory_space<hbm>> -> memref<1x4096xf32, #tpu.memory_space<hbm>>
    %dma_wait3A_236 = tpu.memref_squeeze %dma_wait3A_235 : memref<1x4096xf32, #tpu.memory_space<hbm>> -> memref<4096xf32, #tpu.memory_space<hbm>>
    %dma_wait3A_237 = arith.constant 0 : i32
    %dma_wait3A_238 = tpu.memref_slice %arg7[%dma_wait3A_227, %dma_wait3A_237] : memref<2x4096xf32, #tpu.memory_space<vmem>> -> memref<1x4096xf32, #tpu.memory_space<vmem>>
    %dma_wait3A_239 = tpu.memref_squeeze %dma_wait3A_238 : memref<1x4096xf32, #tpu.memory_space<vmem>> -> memref<4096xf32, #tpu.memory_space<vmem>>
    tpu.wait_dma2 semaphore(%arg10 : memref<!tpu.dma_semaphore, #tpu.memory_space<semaphore_mem>>) src(%dma_wait3A_239 : memref<4096xf32, #tpu.memory_space<vmem>>) dst(%dma_wait3A_236 : memref<4096xf32, #tpu.memory_space<hbm>>)
    %parallel_loop3A_240 = arith.constant 0 : i32
    %parallel_loop3A_241 = arith.constant 4096 : i32
    %parallel_loop3A_242 = arith.constant 16 : i32
    scf.for %parallel_loop3A_369 = %parallel_loop3A_240 to %parallel_loop3A_241 step %parallel_loop3A_242  : i32 {
      %parallel_loop3A_370 = arith.constant 0 : i32
      %parallel_loop3A_371 = arith.addi %parallel_loop3A_370, %parallel_loop3A_369 : i32
      %parallel_loop3A_372 = arith.index_cast %parallel_loop3A_371 : i32 to index
      %parallel_loop3A_373 = tpu.vector_load %arg6[%parallel_loop3A_372] {strides = array<i32>} : memref<16384xi32, #tpu.memory_space<vmem>>, vector<16xi32>,
      %parallel_loop3A_374 = tpu.vector_load_idx %arg5[%parallel_loop3A_373] : memref<100000xf32, #tpu.memory_space<vmem>>[vector<16xi32>], vector<16xf32>,
      %parallel_loop3A_375 = arith.constant 0 : i32
      %parallel_loop3A_376 = arith.index_cast %parallel_loop3A_375 : i32 to index
      %parallel_loop3A_377 = arith.index_cast %parallel_loop3A_369 : i32 to index
      %parallel_loop3A_378 = tpu.vector_load %arg7[%parallel_loop3A_376, %parallel_loop3A_377] {strides = array<i32>} : memref<2x4096xf32, #tpu.memory_space<vmem>>, vector<16xf32>,
      tpu.vector_store %arg7[%parallel_loop3A_376, %parallel_loop3A_377], %parallel_loop3A_374 {strides = array<i32>} : memref<2x4096xf32, #tpu.memory_space<vmem>>, vector<16xf32>,
    } {sc.loop_unroll_factor = 8 : i64, sc.parallel_access}
    %dma_start3A_243 = arith.constant 0 : i32
    %dma_start3A_244 = arith.constant 0 : i32
    %dma_start3A_245 = tpu.memref_slice %arg7[%dma_start3A_243, %dma_start3A_244] : memref<2x4096xf32, #tpu.memory_space<vmem>> -> memref<1x4096xf32, #tpu.memory_space<vmem>>
    %dma_start3A_246 = tpu.memref_squeeze %dma_start3A_245 : memref<1x4096xf32, #tpu.memory_space<vmem>> -> memref<4096xf32, #tpu.memory_space<vmem>>
    %dma_start3A_247 = arith.constant 0 : i32
    %dma_start3A_248 = tpu.memref_slice %arg4[%add3A_220, %dma_start3A_247] : memref<64x16384xf32, #tpu.memory_space<hbm>> -> memref<1x4096xf32, #tpu.memory_space<hbm>>
    %dma_start3A_249 = tpu.memref_squeeze %dma_start3A_248 : memref<1x4096xf32, #tpu.memory_space<hbm>> -> memref<4096xf32, #tpu.memory_space<hbm>>
    %dma_start3A_250 = arith.constant 0 : i32
    %dma_start3A_251 = tpu.memref_slice %arg4[%add3A_220, %dma_start3A_250] : memref<64x16384xf32, #tpu.memory_space<hbm>> -> memref<1x4096xf32, #tpu.memory_space<hbm>>
    %dma_start3A_252 = tpu.memref_squeeze %dma_start3A_251 : memref<1x4096xf32, #tpu.memory_space<hbm>> -> memref<4096xf32, #tpu.memory_space<hbm>>
    %dma_start3A_253 = arith.constant 0 : i32
    %dma_start3A_254 = tpu.memref_slice %arg7[%dma_start3A_243, %dma_start3A_253] : memref<2x4096xf32, #tpu.memory_space<vmem>> -> memref<1x4096xf32, #tpu.memory_space<vmem>>
    %dma_start3A_255 = tpu.memref_squeeze %dma_start3A_254 : memref<1x4096xf32, #tpu.memory_space<vmem>> -> memref<4096xf32, #tpu.memory_space<vmem>>
    tpu.enqueue_dma source(%dma_start3A_255 : memref<4096xf32, #tpu.memory_space<vmem>>) target(%dma_start3A_252 : memref<4096xf32, #tpu.memory_space<hbm>>) target_semaphore(%arg10 : memref<!tpu.dma_semaphore, #tpu.memory_space<semaphore_mem>>)
    %dma_wait3A_256 = arith.constant 1 : i32
    %dma_wait3A_257 = arith.constant 0 : i32
    %dma_wait3A_258 = tpu.memref_slice %arg7[%dma_wait3A_256, %dma_wait3A_257] : memref<2x4096xf32, #tpu.memory_space<vmem>> -> memref<1x4096xf32, #tpu.memory_space<vmem>>
    %dma_wait3A_259 = tpu.memref_squeeze %dma_wait3A_258 : memref<1x4096xf32, #tpu.memory_space<vmem>> -> memref<4096xf32, #tpu.memory_space<vmem>>
    %dma_wait3A_260 = arith.constant 12288 : i32
    %dma_wait3A_261 = tpu.memref_slice %arg4[%add3A_115, %dma_wait3A_260] : memref<64x16384xf32, #tpu.memory_space<hbm>> -> memref<1x4096xf32, #tpu.memory_space<hbm>>
    %dma_wait3A_262 = tpu.memref_squeeze %dma_wait3A_261 : memref<1x4096xf32, #tpu.memory_space<hbm>> -> memref<4096xf32, #tpu.memory_space<hbm>>
    %dma_wait3A_263 = arith.constant 12288 : i32
    %dma_wait3A_264 = tpu.memref_slice %arg4[%add3A_115, %dma_wait3A_263] : memref<64x16384xf32, #tpu.memory_space<hbm>> -> memref<1x4096xf32, #tpu.memory_space<hbm>>
    %dma_wait3A_265 = tpu.memref_squeeze %dma_wait3A_264 : memref<1x4096xf32, #tpu.memory_space<hbm>> -> memref<4096xf32, #tpu.memory_space<hbm>>
    %dma_wait3A_266 = arith.constant 0 : i32
    %dma_wait3A_267 = tpu.memref_slice %arg7[%dma_wait3A_256, %dma_wait3A_266] : memref<2x4096xf32, #tpu.memory_space<vmem>> -> memref<1x4096xf32, #tpu.memory_space<vmem>>
    %dma_wait3A_268 = tpu.memref_squeeze %dma_wait3A_267 : memref<1x4096xf32, #tpu.memory_space<vmem>> -> memref<4096xf32, #tpu.memory_space<vmem>>
    tpu.wait_dma2 semaphore(%arg10 : memref<!tpu.dma_semaphore, #tpu.memory_space<semaphore_mem>>) src(%dma_wait3A_268 : memref<4096xf32, #tpu.memory_space<vmem>>) dst(%dma_wait3A_265 : memref<4096xf32, #tpu.memory_space<hbm>>)
    %parallel_loop3A_269 = arith.constant 0 : i32
    %parallel_loop3A_270 = arith.constant 4096 : i32
    %parallel_loop3A_271 = arith.constant 16 : i32
    scf.for %parallel_loop3A_369 = %parallel_loop3A_269 to %parallel_loop3A_270 step %parallel_loop3A_271  : i32 {
      %parallel_loop3A_370 = arith.constant 4096 : i32
      %parallel_loop3A_371 = arith.addi %parallel_loop3A_370, %parallel_loop3A_369 : i32
      %parallel_loop3A_372 = arith.index_cast %parallel_loop3A_371 : i32 to index
      %parallel_loop3A_373 = tpu.vector_load %arg6[%parallel_loop3A_372] {strides = array<i32>} : memref<16384xi32, #tpu.memory_space<vmem>>, vector<16xi32>,
      %parallel_loop3A_374 = tpu.vector_load_idx %arg5[%parallel_loop3A_373] : memref<100000xf32, #tpu.memory_space<vmem>>[vector<16xi32>], vector<16xf32>,
      %parallel_loop3A_375 = arith.constant 1 : i32
      %parallel_loop3A_376 = arith.index_cast %parallel_loop3A_375 : i32 to index
      %parallel_loop3A_377 = arith.index_cast %parallel_loop3A_369 : i32 to index
      %parallel_loop3A_378 = tpu.vector_load %arg7[%parallel_loop3A_376, %parallel_loop3A_377] {strides = array<i32>} : memref<2x4096xf32, #tpu.memory_space<vmem>>, vector<16xf32>,
      tpu.vector_store %arg7[%parallel_loop3A_376, %parallel_loop3A_377], %parallel_loop3A_374 {strides = array<i32>} : memref<2x4096xf32, #tpu.memory_space<vmem>>, vector<16xf32>,
    } {sc.loop_unroll_factor = 8 : i64, sc.parallel_access}
    %dma_start3A_272 = arith.constant 1 : i32
    %dma_start3A_273 = arith.constant 0 : i32
    %dma_start3A_274 = tpu.memref_slice %arg7[%dma_start3A_272, %dma_start3A_273] : memref<2x4096xf32, #tpu.memory_space<vmem>> -> memref<1x4096xf32, #tpu.memory_space<vmem>>
    %dma_start3A_275 = tpu.memref_squeeze %dma_start3A_274 : memref<1x4096xf32, #tpu.memory_space<vmem>> -> memref<4096xf32, #tpu.memory_space<vmem>>
    %dma_start3A_276 = arith.constant 4096 : i32
    %dma_start3A_277 = tpu.memref_slice %arg4[%add3A_220, %dma_start3A_276] : memref<64x16384xf32, #tpu.memory_space<hbm>> -> memref<1x4096xf32, #tpu.memory_space<hbm>>
    %dma_start3A_278 = tpu.memref_squeeze %dma_start3A_277 : memref<1x4096xf32, #tpu.memory_space<hbm>> -> memref<4096xf32, #tpu.memory_space<hbm>>
    %dma_start3A_279 = arith.constant 4096 : i32
    %dma_start3A_280 = tpu.memref_slice %arg4[%add3A_220, %dma_start3A_279] : memref<64x16384xf32, #tpu.memory_space<hbm>> -> memref<1x4096xf32, #tpu.memory_space<hbm>>
    %dma_start3A_281 = tpu.memref_squeeze %dma_start3A_280 : memref<1x4096xf32, #tpu.memory_space<hbm>> -> memref<4096xf32, #tpu.memory_space<hbm>>
    %dma_start3A_282 = arith.constant 0 : i32
    %dma_start3A_283 = tpu.memref_slice %arg7[%dma_start3A_272, %dma_start3A_282] : memref<2x4096xf32, #tpu.memory_space<vmem>> -> memref<1x4096xf32, #tpu.memory_space<vmem>>
    %dma_start3A_284 = tpu.memref_squeeze %dma_start3A_283 : memref<1x4096xf32, #tpu.memory_space<vmem>> -> memref<4096xf32, #tpu.memory_space<vmem>>
    tpu.enqueue_dma source(%dma_start3A_284 : memref<4096xf32, #tpu.memory_space<vmem>>) target(%dma_start3A_281 : memref<4096xf32, #tpu.memory_space<hbm>>) target_semaphore(%arg10 : memref<!tpu.dma_semaphore, #tpu.memory_space<semaphore_mem>>)
    %dma_wait3A_285 = arith.constant 0 : i32
    %dma_wait3A_286 = arith.constant 0 : i32
    %dma_wait3A_287 = tpu.memref_slice %arg7[%dma_wait3A_285, %dma_wait3A_286] : memref<2x4096xf32, #tpu.memory_space<vmem>> -> memref<1x4096xf32, #tpu.memory_space<vmem>>
    %dma_wait3A_288 = tpu.memref_squeeze %dma_wait3A_287 : memref<1x4096xf32, #tpu.memory_space<vmem>> -> memref<4096xf32, #tpu.memory_space<vmem>>
    %dma_wait3A_289 = arith.constant 0 : i32
    %dma_wait3A_290 = tpu.memref_slice %arg4[%add3A_220, %dma_wait3A_289] : memref<64x16384xf32, #tpu.memory_space<hbm>> -> memref<1x4096xf32, #tpu.memory_space<hbm>>
    %dma_wait3A_291 = tpu.memref_squeeze %dma_wait3A_290 : memref<1x4096xf32, #tpu.memory_space<hbm>> -> memref<4096xf32, #tpu.memory_space<hbm>>
    %dma_wait3A_292 = arith.constant 0 : i32
    %dma_wait3A_293 = tpu.memref_slice %arg4[%add3A_220, %dma_wait3A_292] : memref<64x16384xf32, #tpu.memory_space<hbm>> -> memref<1x4096xf32, #tpu.memory_space<hbm>>
    %dma_wait3A_294 = tpu.memref_squeeze %dma_wait3A_293 : memref<1x4096xf32, #tpu.memory_space<hbm>> -> memref<4096xf32, #tpu.memory_space<hbm>>
    %dma_wait3A_295 = arith.constant 0 : i32
    %dma_wait3A_296 = tpu.memref_slice %arg7[%dma_wait3A_285, %dma_wait3A_295] : memref<2x4096xf32, #tpu.memory_space<vmem>> -> memref<1x4096xf32, #tpu.memory_space<vmem>>
    %dma_wait3A_297 = tpu.memref_squeeze %dma_wait3A_296 : memref<1x4096xf32, #tpu.memory_space<vmem>> -> memref<4096xf32, #tpu.memory_space<vmem>>
    tpu.wait_dma2 semaphore(%arg10 : memref<!tpu.dma_semaphore, #tpu.memory_space<semaphore_mem>>) src(%dma_wait3A_297 : memref<4096xf32, #tpu.memory_space<vmem>>) dst(%dma_wait3A_294 : memref<4096xf32, #tpu.memory_space<hbm>>)
    %parallel_loop3A_298 = arith.constant 0 : i32
    %parallel_loop3A_299 = arith.constant 4096 : i32
    %parallel_loop3A_300 = arith.constant 16 : i32
    scf.for %parallel_loop3A_369 = %parallel_loop3A_298 to %parallel_loop3A_299 step %parallel_loop3A_300  : i32 {
      %parallel_loop3A_370 = arith.constant 8192 : i32
      %parallel_loop3A_371 = arith.addi %parallel_loop3A_370, %parallel_loop3A_369 : i32
      %parallel_loop3A_372 = arith.index_cast %parallel_loop3A_371 : i32 to index
      %parallel_loop3A_373 = tpu.vector_load %arg6[%parallel_loop3A_372] {strides = array<i32>} : memref<16384xi32, #tpu.memory_space<vmem>>, vector<16xi32>,
      %parallel_loop3A_374 = tpu.vector_load_idx %arg5[%parallel_loop3A_373] : memref<100000xf32, #tpu.memory_space<vmem>>[vector<16xi32>], vector<16xf32>,
      %parallel_loop3A_375 = arith.constant 0 : i32
      %parallel_loop3A_376 = arith.index_cast %parallel_loop3A_375 : i32 to index
      %parallel_loop3A_377 = arith.index_cast %parallel_loop3A_369 : i32 to index
      %parallel_loop3A_378 = tpu.vector_load %arg7[%parallel_loop3A_376, %parallel_loop3A_377] {strides = array<i32>} : memref<2x4096xf32, #tpu.memory_space<vmem>>, vector<16xf32>,
      tpu.vector_store %arg7[%parallel_loop3A_376, %parallel_loop3A_377], %parallel_loop3A_374 {strides = array<i32>} : memref<2x4096xf32, #tpu.memory_space<vmem>>, vector<16xf32>,
    } {sc.loop_unroll_factor = 8 : i64, sc.parallel_access}
    %dma_start3A_301 = arith.constant 0 : i32
    %dma_start3A_302 = arith.constant 0 : i32
    %dma_start3A_303 = tpu.memref_slice %arg7[%dma_start3A_301, %dma_start3A_302] : memref<2x4096xf32, #tpu.memory_space<vmem>> -> memref<1x4096xf32, #tpu.memory_space<vmem>>
    %dma_start3A_304 = tpu.memref_squeeze %dma_start3A_303 : memref<1x4096xf32, #tpu.memory_space<vmem>> -> memref<4096xf32, #tpu.memory_space<vmem>>
    %dma_start3A_305 = arith.constant 8192 : i32
    %dma_start3A_306 = tpu.memref_slice %arg4[%add3A_220, %dma_start3A_305] : memref<64x16384xf32, #tpu.memory_space<hbm>> -> memref<1x4096xf32, #tpu.memory_space<hbm>>
    %dma_start3A_307 = tpu.memref_squeeze %dma_start3A_306 : memref<1x4096xf32, #tpu.memory_space<hbm>> -> memref<4096xf32, #tpu.memory_space<hbm>>
    %dma_start3A_308 = arith.constant 8192 : i32
    %dma_start3A_309 = tpu.memref_slice %arg4[%add3A_220, %dma_start3A_308] : memref<64x16384xf32, #tpu.memory_space<hbm>> -> memref<1x4096xf32, #tpu.memory_space<hbm>>
    %dma_start3A_310 = tpu.memref_squeeze %dma_start3A_309 : memref<1x4096xf32, #tpu.memory_space<hbm>> -> memref<4096xf32, #tpu.memory_space<hbm>>
    %dma_start3A_311 = arith.constant 0 : i32
    %dma_start3A_312 = tpu.memref_slice %arg7[%dma_start3A_301, %dma_start3A_311] : memref<2x4096xf32, #tpu.memory_space<vmem>> -> memref<1x4096xf32, #tpu.memory_space<vmem>>
    %dma_start3A_313 = tpu.memref_squeeze %dma_start3A_312 : memref<1x4096xf32, #tpu.memory_space<vmem>> -> memref<4096xf32, #tpu.memory_space<vmem>>
    tpu.enqueue_dma source(%dma_start3A_313 : memref<4096xf32, #tpu.memory_space<vmem>>) target(%dma_start3A_310 : memref<4096xf32, #tpu.memory_space<hbm>>) target_semaphore(%arg10 : memref<!tpu.dma_semaphore, #tpu.memory_space<semaphore_mem>>)
    %dma_wait3A_314 = arith.constant 1 : i32
    %dma_wait3A_315 = arith.constant 0 : i32
    %dma_wait3A_316 = tpu.memref_slice %arg7[%dma_wait3A_314, %dma_wait3A_315] : memref<2x4096xf32, #tpu.memory_space<vmem>> -> memref<1x4096xf32, #tpu.memory_space<vmem>>
    %dma_wait3A_317 = tpu.memref_squeeze %dma_wait3A_316 : memref<1x4096xf32, #tpu.memory_space<vmem>> -> memref<4096xf32, #tpu.memory_space<vmem>>
    %dma_wait3A_318 = arith.constant 4096 : i32
    %dma_wait3A_319 = tpu.memref_slice %arg4[%add3A_220, %dma_wait3A_318] : memref<64x16384xf32, #tpu.memory_space<hbm>> -> memref<1x4096xf32, #tpu.memory_space<hbm>>
    %dma_wait3A_320 = tpu.memref_squeeze %dma_wait3A_319 : memref<1x4096xf32, #tpu.memory_space<hbm>> -> memref<4096xf32, #tpu.memory_space<hbm>>
    %dma_wait3A_321 = arith.constant 4096 : i32
    %dma_wait3A_322 = tpu.memref_slice %arg4[%add3A_220, %dma_wait3A_321] : memref<64x16384xf32, #tpu.memory_space<hbm>> -> memref<1x4096xf32, #tpu.memory_space<hbm>>
    %dma_wait3A_323 = tpu.memref_squeeze %dma_wait3A_322 : memref<1x4096xf32, #tpu.memory_space<hbm>> -> memref<4096xf32, #tpu.memory_space<hbm>>
    %dma_wait3A_324 = arith.constant 0 : i32
    %dma_wait3A_325 = tpu.memref_slice %arg7[%dma_wait3A_314, %dma_wait3A_324] : memref<2x4096xf32, #tpu.memory_space<vmem>> -> memref<1x4096xf32, #tpu.memory_space<vmem>>
    %dma_wait3A_326 = tpu.memref_squeeze %dma_wait3A_325 : memref<1x4096xf32, #tpu.memory_space<vmem>> -> memref<4096xf32, #tpu.memory_space<vmem>>
    tpu.wait_dma2 semaphore(%arg10 : memref<!tpu.dma_semaphore, #tpu.memory_space<semaphore_mem>>) src(%dma_wait3A_326 : memref<4096xf32, #tpu.memory_space<vmem>>) dst(%dma_wait3A_323 : memref<4096xf32, #tpu.memory_space<hbm>>)
    %parallel_loop3A_327 = arith.constant 0 : i32
    %parallel_loop3A_328 = arith.constant 4096 : i32
    %parallel_loop3A_329 = arith.constant 16 : i32
    scf.for %parallel_loop3A_369 = %parallel_loop3A_327 to %parallel_loop3A_328 step %parallel_loop3A_329  : i32 {
      %parallel_loop3A_370 = arith.constant 12288 : i32
      %parallel_loop3A_371 = arith.addi %parallel_loop3A_370, %parallel_loop3A_369 : i32
      %parallel_loop3A_372 = arith.index_cast %parallel_loop3A_371 : i32 to index
      %parallel_loop3A_373 = tpu.vector_load %arg6[%parallel_loop3A_372] {strides = array<i32>} : memref<16384xi32, #tpu.memory_space<vmem>>, vector<16xi32>,
      %parallel_loop3A_374 = tpu.vector_load_idx %arg5[%parallel_loop3A_373] : memref<100000xf32, #tpu.memory_space<vmem>>[vector<16xi32>], vector<16xf32>,
      %parallel_loop3A_375 = arith.constant 1 : i32
      %parallel_loop3A_376 = arith.index_cast %parallel_loop3A_375 : i32 to index
      %parallel_loop3A_377 = arith.index_cast %parallel_loop3A_369 : i32 to index
      %parallel_loop3A_378 = tpu.vector_load %arg7[%parallel_loop3A_376, %parallel_loop3A_377] {strides = array<i32>} : memref<2x4096xf32, #tpu.memory_space<vmem>>, vector<16xf32>,
      tpu.vector_store %arg7[%parallel_loop3A_376, %parallel_loop3A_377], %parallel_loop3A_374 {strides = array<i32>} : memref<2x4096xf32, #tpu.memory_space<vmem>>, vector<16xf32>,
    } {sc.loop_unroll_factor = 8 : i64, sc.parallel_access}
    %dma_start3A_330 = arith.constant 1 : i32
    %dma_start3A_331 = arith.constant 0 : i32
    %dma_start3A_332 = tpu.memref_slice %arg7[%dma_start3A_330, %dma_start3A_331] : memref<2x4096xf32, #tpu.memory_space<vmem>> -> memref<1x4096xf32, #tpu.memory_space<vmem>>
    %dma_start3A_333 = tpu.memref_squeeze %dma_start3A_332 : memref<1x4096xf32, #tpu.memory_space<vmem>> -> memref<4096xf32, #tpu.memory_space<vmem>>
    %dma_start3A_334 = arith.constant 12288 : i32
    %dma_start3A_335 = tpu.memref_slice %arg4[%add3A_220, %dma_start3A_334] : memref<64x16384xf32, #tpu.memory_space<hbm>> -> memref<1x4096xf32, #tpu.memory_space<hbm>>
    %dma_start3A_336 = tpu.memref_squeeze %dma_start3A_335 : memref<1x4096xf32, #tpu.memory_space<hbm>> -> memref<4096xf32, #tpu.memory_space<hbm>>
    %dma_start3A_337 = arith.constant 12288 : i32
    %dma_start3A_338 = tpu.memref_slice %arg4[%add3A_220, %dma_start3A_337] : memref<64x16384xf32, #tpu.memory_space<hbm>> -> memref<1x4096xf32, #tpu.memory_space<hbm>>
    %dma_start3A_339 = tpu.memref_squeeze %dma_start3A_338 : memref<1x4096xf32, #tpu.memory_space<hbm>> -> memref<4096xf32, #tpu.memory_space<hbm>>
    %dma_start3A_340 = arith.constant 0 : i32
    %dma_start3A_341 = tpu.memref_slice %arg7[%dma_start3A_330, %dma_start3A_340] : memref<2x4096xf32, #tpu.memory_space<vmem>> -> memref<1x4096xf32, #tpu.memory_space<vmem>>
    %dma_start3A_342 = tpu.memref_squeeze %dma_start3A_341 : memref<1x4096xf32, #tpu.memory_space<vmem>> -> memref<4096xf32, #tpu.memory_space<vmem>>
    tpu.enqueue_dma source(%dma_start3A_342 : memref<4096xf32, #tpu.memory_space<vmem>>) target(%dma_start3A_339 : memref<4096xf32, #tpu.memory_space<hbm>>) target_semaphore(%arg10 : memref<!tpu.dma_semaphore, #tpu.memory_space<semaphore_mem>>)
    %dma_wait3A_343 = arith.constant 0 : i32
    %dma_wait3A_344 = arith.constant 0 : i32
    %dma_wait3A_345 = tpu.memref_slice %arg7[%dma_wait3A_343, %dma_wait3A_344] : memref<2x4096xf32, #tpu.memory_space<vmem>> -> memref<1x4096xf32, #tpu.memory_space<vmem>>
    %dma_wait3A_346 = tpu.memref_squeeze %dma_wait3A_345 : memref<1x4096xf32, #tpu.memory_space<vmem>> -> memref<4096xf32, #tpu.memory_space<vmem>>
    %dma_wait3A_347 = arith.constant 8192 : i32
    %dma_wait3A_348 = tpu.memref_slice %arg4[%add3A_220, %dma_wait3A_347] : memref<64x16384xf32, #tpu.memory_space<hbm>> -> memref<1x4096xf32, #tpu.memory_space<hbm>>
    %dma_wait3A_349 = tpu.memref_squeeze %dma_wait3A_348 : memref<1x4096xf32, #tpu.memory_space<hbm>> -> memref<4096xf32, #tpu.memory_space<hbm>>
    %dma_wait3A_350 = arith.constant 8192 : i32
    %dma_wait3A_351 = tpu.memref_slice %arg4[%add3A_220, %dma_wait3A_350] : memref<64x16384xf32, #tpu.memory_space<hbm>> -> memref<1x4096xf32, #tpu.memory_space<hbm>>
    %dma_wait3A_352 = tpu.memref_squeeze %dma_wait3A_351 : memref<1x4096xf32, #tpu.memory_space<hbm>> -> memref<4096xf32, #tpu.memory_space<hbm>>
    %dma_wait3A_353 = arith.constant 0 : i32
    %dma_wait3A_354 = tpu.memref_slice %arg7[%dma_wait3A_343, %dma_wait3A_353] : memref<2x4096xf32, #tpu.memory_space<vmem>> -> memref<1x4096xf32, #tpu.memory_space<vmem>>
    %dma_wait3A_355 = tpu.memref_squeeze %dma_wait3A_354 : memref<1x4096xf32, #tpu.memory_space<vmem>> -> memref<4096xf32, #tpu.memory_space<vmem>>
    tpu.wait_dma2 semaphore(%arg10 : memref<!tpu.dma_semaphore, #tpu.memory_space<semaphore_mem>>) src(%dma_wait3A_355 : memref<4096xf32, #tpu.memory_space<vmem>>) dst(%dma_wait3A_352 : memref<4096xf32, #tpu.memory_space<hbm>>)
    %dma_wait3A_356 = arith.constant 1 : i32
    %dma_wait3A_357 = arith.constant 0 : i32
    %dma_wait3A_358 = tpu.memref_slice %arg7[%dma_wait3A_356, %dma_wait3A_357] : memref<2x4096xf32, #tpu.memory_space<vmem>> -> memref<1x4096xf32, #tpu.memory_space<vmem>>
    %dma_wait3A_359 = tpu.memref_squeeze %dma_wait3A_358 : memref<1x4096xf32, #tpu.memory_space<vmem>> -> memref<4096xf32, #tpu.memory_space<vmem>>
    %dma_wait3A_360 = arith.constant 12288 : i32
    %dma_wait3A_361 = tpu.memref_slice %arg4[%add3A_220, %dma_wait3A_360] : memref<64x16384xf32, #tpu.memory_space<hbm>> -> memref<1x4096xf32, #tpu.memory_space<hbm>>
    %dma_wait3A_362 = tpu.memref_squeeze %dma_wait3A_361 : memref<1x4096xf32, #tpu.memory_space<hbm>> -> memref<4096xf32, #tpu.memory_space<hbm>>
    %dma_wait3A_363 = arith.constant 12288 : i32
    %dma_wait3A_364 = tpu.memref_slice %arg4[%add3A_220, %dma_wait3A_363] : memref<64x16384xf32, #tpu.memory_space<hbm>> -> memref<1x4096xf32, #tpu.memory_space<hbm>>
    %dma_wait3A_365 = tpu.memref_squeeze %dma_wait3A_364 : memref<1x4096xf32, #tpu.memory_space<hbm>> -> memref<4096xf32, #tpu.memory_space<hbm>>
    %dma_wait3A_366 = arith.constant 0 : i32
    %dma_wait3A_367 = tpu.memref_slice %arg7[%dma_wait3A_356, %dma_wait3A_366] : memref<2x4096xf32, #tpu.memory_space<vmem>> -> memref<1x4096xf32, #tpu.memory_space<vmem>>
    %dma_wait3A_368 = tpu.memref_squeeze %dma_wait3A_367 : memref<1x4096xf32, #tpu.memory_space<vmem>> -> memref<4096xf32, #tpu.memory_space<vmem>>
    tpu.wait_dma2 semaphore(%arg10 : memref<!tpu.dma_semaphore, #tpu.memory_space<semaphore_mem>>) src(%dma_wait3A_368 : memref<4096xf32, #tpu.memory_space<vmem>>) dst(%dma_wait3A_365 : memref<4096xf32, #tpu.memory_space<hbm>>)
    return
  }
}

</mosaic_0001>

<sc_bundles>
// kernel: kernel.3.cloned.1.call-start
scs
__scs_entry_jumppad:
0x0: {  	(pc) =	sbr.rel $0x88, $3  }
0x1: {  	(tag) =	ssettag $0x0;
	lr =	simm.s32 $0x1  }
0x2: {  	[smem:$0x3F9F] =	sst lr;
	_ =	strace $0xD0000000  }
0x3: {  	_ = 	snop  }
0x4: {  	_ = 	snop  }
0x5: {  	_ = 	snop  }
0x6: {  	_ = 	snop  }
0x7: {  	_ = 	snop  }
__scs_overlays_trampoline_lowered:
0x8: {  	[smem:$0x3FAE] =	sst s0  }
0x9: {  	[smem:$0x3FAF] =	sst s1  }
0xa: {  	[smem:$0x3FB0] =	sst s2  }
0xb: {  	[smem:$0x3FB1] =	sst s3  }
0xc: {  	[smem:$0x3FB2] =	sst s4  }
0xd: {  	[smem:$0x3FB3] =	sst s5  }
0xe: {  	[smem:$0x3FB4] =	sst s6  }
0xf: {  	[smem:$0x3FB5] =	sst s7  }
0x10: {  	[smem:$0x3FB6] =	sst s8  }
0x11: {  	[smem:$0x3FB7] =	sst s9;
	s0 =	simm.s32 @!p0 $0x0  }
0x12: {  	s1 =	sld [smem:$0x3F9D];
	s0 =	simm.s32 @p0 $0x1  }
0x13: {  	[smem:$0x3FB8] =	sst s0;
	s0 =	simm.s32 @!p1 $0x0  }
0x14: {  	s2 =	sld [smem:$0x3F9C];
	s0 =	simm.s32 @p1 $0x1  }
0x15: {  	[smem:$0x3FB9] =	sst s0;
	s0 =	simm.s32 @!p2 $0x0  }
0x16: {  	s3 =	sld [smem:$0x3FDB];
	s0 =	simm.s32 @p2 $0x1  }
0x17: {  	s4 =	simm.s32 $0x1BF5;
	[smem:$0x3FBB] =	sst s0  }
0x18: {  	s0 =	sld [smem:$0x3F9E];
	_ =	swait.ge [sflag:s4], $0x0  }
0x19: {  	s7 =	sld [smem:$0x3F9F]  }
0x1a: {  	s8 =	sadd.s32 $0xFFFFE003, lr  }
0x1b: {  	s9 =	sadd.s32 $0xFFFFFEF7, lr;
	s5 =	simm.s32 $0xFFFFFFFF;
	p2 =	slt.u32 s8, $0xFFFFF086  }
0x1c: {  	p1 =	slt.u32 s9, $0xF7A;
	s5 =	simm.s32 @!p2 $0x0  }
0x1d: {  	s5 =	simm.s32 @p1 $0x1;
	p0 =	seq.s32 s7, s2  }
0x1e: {  	s7 =	smul.u32 @!p0 $0xF7A, s2;
	p2 =	seq.s32 @!p0 s5, $0x0  }
0x1f: {  	s9 =	smul.u32 $0xF7A, s1;
	s8 =	simm.s32 @!p0 $0x1BF5;
	p2 =	por !p2, p0  }
0x20: {  	[sflag:s8] =	ssyncset.s32 @!p0 $0xFFFFF086;
	s6 =	sadd.s32 @!p0 s3, s7;
	s7 =	simm.s32 @!p0 $0x108  }
0x21: {  	s3 =	sadd.s32 s3, s9;
	s6 =	sadd.s32 @!p0 $0x88, s6;
	s7 =	simm.s32 @p2 $0x1082  }
0x22: {  	[simem:s7], [sflag:s8] =	dma.local @!p0 [hbm:s6], $0xF7A  }
0x23: {  	s9 =	sor.u32 $0xD0000000, s2;
	s6 =	simm.s32 $0x108;
	_ =	swait.ge @!p0 [sflag:s8], $0x0  }
0x24: {  	s3 =	sadd.s32 $0x88, s3;
	s6 =	simm.s32 @!p1 $0x1082;
	[sflag:s4] =	ssyncset.s32 $0xFFFFF086  }
0x25: {  	[simem:s6], [sflag:s4] =	dma.local [hbm:s3], $0xF7A  }
0x26: {  	[smem:$0x3F9F] =	sst s1;
	(tag) =	ssettag s2;
	_ =	strace s9  }
0x27: {  	s1 =	sld [smem:$0x3FAF]  }
0x28: {  	s2 =	sld [smem:$0x3FB0]  }
0x29: {  	s4 =	sld [smem:$0x3FB2]  }
0x2a: {  	p0 =	seq.s32 s5, $0x0;
	s5 =	sld [smem:$0x3FB3]  }
0x2b: {  	s6 =	sld [smem:$0x3FB4]  }
0x2c: {  	s7 =	sld [smem:$0x3FB5]  }
0x2d: {  	s3 =	simm.s32 $0x108;
	s8 =	sld [smem:$0x3FB6]  }
0x2e: {  	s3 =	simm.s32 @!p0 $0x1082;
	s9 =	sld [smem:$0x3FB7]  }
0x2f: {  	lr =	sadd.s32 s0, s3;
	s0 =	sld [smem:$0x3FAE]  }
0x30: {  	s3 =	sld [smem:$0x3FB1]  }
0x31: {  	[smem:$0x3FBA] =	sst s10  }
0x32: {  	s10 =	sld [smem:$0x3FB8];
	_ =	sdelay $0x3  }
0x33: {  	p0 =	seq.s32 s10, $0x1;
	s10 =	sld [smem:$0x3FBA];
	_ =	sdelay $0x3  }
0x34: {  	[smem:$0x3FBA] =	sst s10  }
0x35: {  	s10 =	sld [smem:$0x3FB9];
	_ =	sdelay $0x3  }
0x36: {  	p1 =	seq.s32 s10, $0x1;
	s10 =	sld [smem:$0x3FBA];
	_ =	sdelay $0x3  }
0x37: {  	[smem:$0x3FBA] =	sst s10  }
0x38: {  	s10 =	sld [smem:$0x3FBB]  }
0x39: {  	_ = 	snop;
	(pc) =	sbr.ind lr, $3  }
0x3a: {  	_ = 	snop  }
0x3b: {  	_ = 	snop  }
0x3c: {  	p2 =	seq.s32 s10, $0x1;
	s10 =	sld [smem:$0x3FBA]  }
0x3d: {  	_ =	shalt  }
0x3e: {  	_ =	shalt  }
0x3f: {  	_ =	shalt  }
0x40: {  	_ =	shalt  }
0x41: {  	_ =	shalt  }
0x42: {  	_ =	shalt  }
0x43: {  	_ =	shalt  }
0x44: {  	_ =	shalt  }
0x45: {  	_ =	shalt  }
0x46: {  	_ =	shalt  }
0x47: {  	_ =	shalt  }
0x48: {  	_ =	shalt  }
0x49: {  	_ =	shalt  }
0x4a: {  	_ =	shalt  }
0x4b: {  	_ =	shalt  }
0x4c: {  	_ =	shalt  }
0x4d: {  	_ =	shalt  }
0x4e: {  	_ =	shalt  }
0x4f: {  	_ =	shalt  }
0x50: {  	_ =	shalt  }
0x51: {  	_ =	shalt  }
0x52: {  	_ =	shalt  }
0x53: {  	_ =	shalt  }
0x54: {  	_ =	shalt  }
0x55: {  	_ =	shalt  }
0x56: {  	_ =	shalt  }
0x57: {  	_ =	shalt  }
0x58: {  	_ =	shalt  }
0x59: {  	_ =	shalt  }
0x5a: {  	_ =	shalt  }
0x5b: {  	_ =	shalt  }
0x5c: {  	_ =	shalt  }
0x5d: {  	_ =	shalt  }
0x5e: {  	_ =	shalt  }
0x5f: {  	_ =	shalt  }
0x60: {  	_ =	shalt  }
0x61: {  	_ =	shalt  }
0x62: {  	_ =	shalt  }
0x63: {  	_ =	shalt  }
0x64: {  	_ =	shalt  }
0x65: {  	_ =	shalt  }
0x66: {  	_ =	shalt  }
0x67: {  	_ =	shalt  }
0x68: {  	_ =	shalt  }
0x69: {  	_ =	shalt  }
0x6a: {  	_ =	shalt  }
0x6b: {  	_ =	shalt  }
0x6c: {  	_ =	shalt  }
0x6d: {  	_ =	shalt  }
0x6e: {  	_ =	shalt  }
0x6f: {  	_ =	shalt  }
0x70: {  	_ =	shalt  }
0x71: {  	_ =	shalt  }
0x72: {  	_ =	shalt  }
0x73: {  	_ =	shalt  }
0x74: {  	_ =	shalt  }
0x75: {  	_ =	shalt  }
0x76: {  	_ =	shalt  }
0x77: {  	_ =	shalt  }
0x78: {  	_ =	shalt  }
0x79: {  	_ =	shalt  }
0x7a: {  	_ =	shalt  }
0x7b: {  	_ =	shalt  }
0x7c: {  	_ =	shalt  }
0x7d: {  	_ =	shalt  }
0x7e: {  	_ =	shalt  }
0x7f: {  	_ =	shalt  }
0x80: {  	_ =	shalt  }
0x81: {  	_ =	shalt  }
0x82: {  	_ =	shalt  }
0x83: {  	_ =	shalt  }
0x84: {  	_ =	shalt  }
0x85: {  	_ =	shalt  }
0x86: {  	_ =	shalt  }
0x87: {  	_ =	shalt  }
.Lfunc_end0:
.L_simem_size_0:
called_computation_lowered:
.L_overlay_start_0:
0x88: {  	s2 =	sld [smem:$0x3FD9]  }
0x89: {  	s3 =	sld [smem:$0x3FFE];
	_ =	sdelay $0x1  }
0x8a: {  	s1 =	srdreg.scid  }
0x8b: {  	s0 =	sand.u32 $0x1, s1  }
0x8c: {  	s18 =	sshll.u32 s0, $0xA;
	s2 =	sadd.s32 s3, s2  }
0x8d: {  	s2 =	sadd.s32 s2, s18  }
0x8e: {  	[smem:$0x3FC6] =	sst s2  }
0x8f: {  	_ = 	snop  }
0x90: {  	s2 =	sld [smem:$0x3FC9]  }
0x91: {  	s19 =	sld [smem:$0x3FC8]  }
0x92: {  	s4 =	sld [smem:$0x3FD0];
	(tm) =	ssettm $0x1  }
0x93: {  	s5 =	sld [smem:$0x3FFB];
	_ =	sdelay $0x3  }
0x94: {  	_ =	strace s5  }
0x95: {  	s5 =	sld [smem:$0x3FFC];
	_ =	sdelay $0x3  }
0x96: {  	_ =	strace s5  }
0x97: {  	s5 =	sld [smem:$0x3FFD];
	_ =	sdelay $0x3  }
0x98: {  	_ =	strace s5  }
0x99: {  	_ =	strace $0x8FFFFFFF  }
0x9a: {  	s20 =	sld [smem:$0x3FDB];
	_ =	sdelay $0x1  }
0x9b: {  	s6 =	simm.s32 $_scs_section_size  }
0x9c: {  	s7 =	simm.s32 $_size__tile_overlayer_lowered;
	s8 =	simm.s32 $_tile_overlayer_lowered  }
0x9d: {  	s23 =	simm.s32 $0x1BFF;
	s22 =	sshll.u32 s8, $0x1;
	s5 =	sadd.s32 s6, s20  }
0x9e: {  	s9 =	simm.s32 $0x0;
	s21 =	sshll.u32 s7, $0x1;
	s7 =	sadd.s32 s22, s5  }
0x9f: {  	[timem:s9], [sflag:s23] =	dma.local [hbm:s7], s21  }
0xa0: {  	_ =	swait.ge [sflag:s23], s21  }
0xa1: {  	s6 =	ssub.s32 $0x0, s21;
	[sflag:s23] =	ssyncset.done $0x0  }
0xa2: {  	[sflag:s23] =	ssyncadd.s32 s6;
	_ =	sdelay $0x1  }
0xa3: {  	s24 =	simm.s32 $0x1B8B  }
0xa4: {  	_ =	swait.ge [sflag:s24], $0x1  }
0xa5: {  	[sflag:s24] =	ssyncset.done $0x0  }
0xa6: {  	s25 =	simm.s32 $0x1B8E;
	[sflag:s24] =	ssyncadd.s32 $0xFFFFFFFF  }
0xa7: {  	s26 =	simm.s32 $execute0_lowered;
	[smem:$0x3FD2] =	sst s25  }
0xa8: {  	s6 =	sshll.u32 s26, $0x1;
	_ =	strace $0x80000046;
	[dreg:$0x1] =	wrdreg $0xFFFFFFFF  }
0xa9: {  	s28 =	simm.s32 $_size_execute0_lowered;
	s5 =	sadd.s32 s5, s6;
	[dreg:$0x0] =	wrdreg $0x0  }
0xaa: {  	s6 =	sshll.u32 s28, $0x1;
	[dreg:$0x2] =	wrdreg s5  }
0xab: {  	[dreg:$0x3] =	wrdreg s6  }
0xac: {  	[dreg:$0x4] =	wrdreg $0xC0  }
0xad: {  	_ =	task [dreg:s9], $0x5FFFF  }
0xae: {  	[dreg:$0x1] =	wrdreg $0xFFFFFFFF  }
0xaf: {  	[dreg:$0x0] =	wrdreg $0x60  }
0xb0: {  	[dreg:$0x2] =	wrdreg s2  }
0xb1: {  	[dreg:$0x3] =	wrdreg s19  }
0xb2: {  	[dreg:$0x4] =	wrdreg s4  }
0xb3: {  	[dreg:$0x5] =	wrdreg $0x9  }
0xb4: {  	_ =	task.clear_ibuf [dreg:s9], $0x6FFFF;
	_ =	strace $0x90000046  }
0xb5: {  	s29 =	simm.s32 $0x9;
	_ =	strace $0x80000048  }
0xb6: {  	_ =	swait.ge [sflag:s29], $0x1  }
0xb7: {  	[sflag:s29] =	ssyncadd.s32 $0xFFFFFFFF  }
0xb8: {  	_ =	strace $0x90000048  }
0xb9: {  	_ =	sfence  }
0xba: {  	s30 =	sld [smem:$0x0];
	_ =	sdelay $0x2  }
0xbb: {  	s31 =	sshll.u32 s1, $0xD;
	s1 =	sshrl.u32 s1, $0x2  }
0xbc: {  	s3 =	sand.u32 $0x4000, s31;
	s1 =	sadd.s32 s1, s30  }
0xbd: {  	s0 =	sor.u32 s3, s0;
	s1 =	sshll.u32 s1, $0x11  }
0xbe: {  	s0 =	sor.u32 s1, s0  }
0xbf: {  	s0 =	sadd.s32 $0x8F2B, s0  }
0xc0: {  	[sflag:s0] =	ssyncadd.remote.s32 $0x1  }
0xc1: {  	_ =	sfence.sel $0xFFFF  }
0xc2: {  	[dreg:$0x0] =	wrdreg $0xFFFFFFFF;
	(pc) =	sbr.abs _section_cstart, $3  }
0xc3: {  	[dreg:$0x1] =	wrdreg $0xFFFFFFFF  }
0xc4: {  	_ =	task.clear_ibuf [dreg:s9], $0x2FFFF;
	_ =	strace $0x9FFFFFFF  }
0xc5: {  	(tm) =	ssettm $0x7FFFFFFF  }
tec
execute0_lowered:
.L_overlay_start_1:
0x0: {  	(tag) =	ssettag $0x1  }
0x1: {  	s0 =	srdreg.scid;
	s2 =	rddreg [dreg:$0x0]  }
0x2: {  	s12 =	stileid.u32;
	s3 =	rddreg [dreg:$0x1]  }
0x3: {  	s5 =	rddreg [dreg:$0x2];
	s0 =	sand.u32 $0x1, s0;
	s1 =	sshll.u32 s12, $0x1  }
0x4: {  	s31 =	simm.s32 $0x80;
	s18 =	sshrl.u32 s12, $0x1;
	s4 =	sor.u32 s0, s1  }
0x5: {  	s0 =	ssub.s32 $0x2, s0;
	s1 =	simm.s32 $0x0;
	s12 =	smul.u32 $0xC3800, s18  }
0x6: {  	s6 =	sshll.u32 s4, $0xB;
	s7 =	sshrl.u32 s0, $0x1;
	[smem:$0x7FF] =	sst s1  }
0x7: {  	s4 =	sshll.u32 s4, $0x8;
	s8 =	sand.u32 $0x3800, s6;
	s0 =	ssub.s32 s0, s7  }
0x8: {  	s21 =	sadd.s32 $0x800, s6;
	s9 =	sadd.s32 $0x1000, s6;
	s22 =	sadd.s32 $0x1800, s6  }
0x9: {  	s13 =	sadd.s32 $0x3000, s6;
	s4 =	sand.u32 $0x300, s4;
	s20 =	sshrl.u32 s8, $0x3  }
0xa: {  	s14 =	sand.u32 $0x3800, s9;
	s24 =	sand.u32 $0x3800, s22;
	s28 =	sand.u32 $0x3800, s13  }
0xb: {  	s13 =	sshll.u32 s18, $0x11;
	s30 =	smax.u32 s0, $0x1;
	s0 =	simm.s32 $0x1  }
0xc: {  	s7 =	sadd.s32 s2, s20;
	s11 =	sshrl.u32 s14, $0x3;
	s26 =	sshrl.u32 s24, $0x3  }
0xd: {  	s17 =	sshrl.u32 s28, $0x3;
	s20 =	sor.u32 $0x80, s4;
	s24 =	sor.u32 $0x18700, s24  }
0xe: {  	s28 =	sor.u32 $0x18700, s28;
	[dreg:$0x4] =	wrdreg s7;
	s7 =	sand.u32 $0x3800, s21  }
0xf: {  	s25 =	sadd.s32 s2, s11;
	s9 =	sadd.s32 s2, s26;
	s21 =	sor.u32 s12, s4  }
0x10: {  	s22 =	sor.u32 s12, s20;
	s4 =	sor.u32 s13, s4;
	[dreg:$0x6] =	wrdreg s25  }
0x11: {  	s10 =	sshrl.u32 s7, $0x3;
	[dreg:$0x7] =	wrdreg s9;
	s25 =	sxor.u32 $0x2000, s8  }
0x12: {  	s9 =	sadd.s32 s2, s17;
	s12 =	sshrl.u32 s22, $0x3;
	s4 =	sshrl.u32 s4, $0x3  }
0x13: {  	s22 =	sor.u32 $0x18700, s7;
	s23 =	sadd.s32 s2, s10;
	s10 =	sadd.s32 $0x2800, s6  }
0x14: {  	s11 =	sshrl.u32 s25, $0x3;
	s6 =	sadd.s32 $0x3800, s6;
	[dreg:$0xa] =	wrdreg s9  }
0x15: {  	s25 =	sor.u32 $0x18700, s25;
	[dreg:$0x5] =	wrdreg s23;
	s26 =	sand.u32 $0x3800, s10  }
0x16: {  	s10 =	sadd.s32 s2, s11;
	s6 =	sand.u32 $0x3800, s6;
	s11 =	sshrl.u32 s21, $0x3  }
0x17: {  	s23 =	sadd.s32 $0x1000, s5;
	s21 =	sor.u32 $0x18700, s8;
	[dreg:$0x8] =	wrdreg s10  }
0x18: {  	s15 =	sshrl.u32 s26, $0x3;
	s19 =	sshrl.u32 s6, $0x3;
	s10 =	sadd.s32 s3, s11  }
0x19: {  	s11 =	sadd.s32 s3, s12;
	s12 =	sadd.s32 s5, s4;
	s26 =	sor.u32 $0x18700, s26  }
0x1a: {  	s29 =	sor.u32 $0x18700, s6;
	s3 =	simm.s32 $0x3;
	s16 =	sadd.s32 s2, s15  }
0x1b: {  	s9 =	sadd.s32 s2, s19;
	s2 =	sor.u32 s13, s20;
	s13 =	sadd.s32 s4, s23  }
0x1c: {  	s19 =	sadd.s32 $0x2000, s5;
	s20 =	sadd.s32 $0x3000, s5;
	[dreg:$0x9] =	wrdreg s16  }
0x1d: {  	s15 =	sadd.s32 s4, s19;
	s16 =	sadd.s32 s4, s20;
	s2 =	sshrl.u32 s2, $0x3  }
0x1e: {  	s4 =	simm.s32 $0x0;
	s17 =	sadd.s32 s5, s2;
	s18 =	sadd.s32 s2, s23  }
0x1f: {  	s19 =	sadd.s32 s2, s19;
	s20 =	sadd.s32 s2, s20;
	_ =	strace $0x80000047  }
0x20: {  	s23 =	sor.u32 $0x18700, s14;
	s14 =	simm.s32 $0x400;
	s2 =	simm.s32 $0x2  }
.LBB2_1:
0x21: {  	s5 =	rddreg [dreg:$0x4]  }
0x22: {  	[tilespmem:s21], [sflag:$0x1] =	stream.linear.gather [hbm4b:s5+s1], $0x800, $0x38;
	[tilespmem:$0x1E700] =	vst v63  }
0x23: {  	s8 =	rddreg [dreg:$0x5]  }
0x24: {  	[tilespmem:s22], [sflag:$0x1] =	stream.linear.gather [hbm4b:s8+s1], $0x800, $0x38;
	[tilespmem:$0x1E700] =	vst v63  }
0x25: {  	s6 =	rddreg [dreg:$0x6]  }
0x26: {  	[tilespmem:s23], [sflag:$0x1] =	stream.linear.gather [hbm4b:s6+s1], $0x800, $0x38;
	[tilespmem:$0x1E700] =	vst v63  }
0x27: {  	s7 =	rddreg [dreg:$0x7]  }
0x28: {  	[tilespmem:s24], [sflag:$0x1] =	stream.linear.gather [hbm4b:s7+s1], $0x800, $0x38;
	[tilespmem:$0x1E700] =	vst v63  }
0x29: {  	s8 =	rddreg [dreg:$0x8]  }
0x2a: {  	[tilespmem:s25], [sflag:$0x1] =	stream.linear.gather [hbm4b:s8+s1], $0x800, $0x38;
	[tilespmem:$0x1E700] =	vst v63  }
0x2b: {  	s6 =	rddreg [dreg:$0x9]  }
0x2c: {  	[tilespmem:s26], [sflag:$0x1] =	stream.linear.gather [hbm4b:s6+s1], $0x800, $0x38;
	[tilespmem:$0x1E700] =	vst v63  }
0x2d: {  	s7 =	rddreg [dreg:$0xa]  }
0x2e: {  	[tilespmem:s28], [sflag:$0x1] =	stream.linear.gather [hbm4b:s7+s1], $0x800, $0x38;
	[tilespmem:$0x1E700] =	vst v63  }
0x2f: {  	_ = 	snop  }
0x30: {  	[tilespmem:s29], [sflag:$0x1] =	stream.linear.gather [hbm4b:s9+s1], $0x800, $0x38;
	[tilespmem:$0x1E700] =	vst v63  }
0x31: {  	_ = 	snop  }
0x32: {  	[tilespmem:s1], [sflag:$0x2] =	stream.strided.gather [hbm4b:s10+s31], $0x18700, s14, s31, $0x38;
	[tilespmem:$0x1E700] =	vst v63  }
0x33: {  	_ =	swait.ge [sflag:s0], $0x800  }
0x34: {  	[sflag:s0] =	ssyncset.done $0x0  }
0x35: {  	[sflag:s0] =	ssyncadd.s32 $0xFFFFF800  }
0x36: {  	_ =	swait.ge [sflag:s0], $0x800  }
0x37: {  	[sflag:s0] =	ssyncset.done $0x0  }
0x38: {  	[sflag:s0] =	ssyncadd.s32 $0xFFFFF800  }
0x39: {  	_ =	swait.ge [sflag:s0], $0x800  }
0x3a: {  	[sflag:s0] =	ssyncset.done $0x0  }
0x3b: {  	[sflag:s0] =	ssyncadd.s32 $0xFFFFF800  }
0x3c: {  	_ =	swait.ge [sflag:s0], $0x800  }
0x3d: {  	[sflag:s0] =	ssyncset.done $0x0  }
0x3e: {  	[sflag:s0] =	ssyncadd.s32 $0xFFFFF800  }
0x3f: {  	_ =	swait.ge [sflag:s0], $0x800  }
0x40: {  	[sflag:s0] =	ssyncset.done $0x0  }
0x41: {  	[sflag:s0] =	ssyncadd.s32 $0xFFFFF800  }
0x42: {  	_ =	swait.ge [sflag:s0], $0x800  }
0x43: {  	[sflag:s0] =	ssyncset.done $0x0  }
0x44: {  	[sflag:s0] =	ssyncadd.s32 $0xFFFFF800  }
0x45: {  	_ =	swait.ge [sflag:s0], $0x800  }
0x46: {  	[sflag:s0] =	ssyncset.done $0x0  }
0x47: {  	[sflag:s0] =	ssyncadd.s32 $0xFFFFF800  }
0x48: {  	_ =	swait.ge [sflag:s0], $0x800  }
0x49: {  	[sflag:s0] =	ssyncset.done $0x0  }
0x4a: {  	[sflag:s0] =	ssyncadd.s32 $0xFFFFF800  }
0x4b: {  	_ =	swait.ge [sflag:s2], $0x18700  }
0x4c: {  	[sflag:s2] =	ssyncset.done $0x0  }
0x4d: {  	s8 =	simm.s32 $0x18740;
	[sflag:s2] =	ssyncadd.s32 $0xFFFE7900  }
0x4e: {  	v0 =	vld [tilespmem:s8+$0x30]  }
0x4f: {  	v1 =	vld [tilespmem:s8+$0xFFFFFFD0]  }
0x50: {  	v2 =	vld [tilespmem:s8+$0xFFFFFFE0]  }
0x51: {  	v3 =	vld [tilespmem:s8+$0xFFFFFFF0]  }
0x52: {  	v4 =	vld [tilespmem:s8+$0x0]  }
0x53: {  	v6 =	vld [tilespmem:s8+$0x10]  }
0x54: {  	v7 =	vld [tilespmem:s8+$0x20]  }
0x55: {  	v8 =	vld [tilespmem:s8+$0xFFFFFFC0]  }
0x56: {  	v9 =	vld.idx.msk [tilespmem:v0+s1+$0x0], $0xffff  }
0x57: {  	v10 =	vld.idx.msk [tilespmem:v1+s1+$0x0], $0xffff  }
0x58: {  	v5 =	vld.idx.msk [tilespmem:v2+s1+$0x0], $0xffff  }
0x59: {  	v3 =	vld.idx.msk [tilespmem:v3+s1+$0x0], $0xffff  }
0x5a: {  	v0 =	vld.idx.msk [tilespmem:v4+s1+$0x0], $0xffff  }
0x5b: {  	s5 =	simm.s32 $0x1C740;
	v1 =	vld.idx.msk [tilespmem:v6+s1+$0x0], $0xffff  }
0x5c: {  	v2 =	vld.idx.msk [tilespmem:v7+s1+$0x0], $0xffff;
	[tilespmem:s5+$0x30] =	vst v9  }
0x5d: {  	s6 =	simm.s32 $0x0;
	s7 =	simm.s32 $0x187C0;
	v4 =	vld.idx.msk [tilespmem:v8+s1+$0x0], $0xffff;
	[tilespmem:s5+$0xFFFFFFD0] =	vst v10  }
.LBB2_2:
0x5e: {  	v6 =	vld [tilespmem:s7+$0x30];
	s6 =	sadd.s32 $0x80, s6;
	[tilespmem:s5+$0xFFFFFFE0] =	vst v5  }
0x5f: {  	v5 =	vld [tilespmem:s7+$0xFFFFFFD0];
	p0 =	slt.u32 s6, $0xF80;
	[tilespmem:s5+$0xFFFFFFF0] =	vst v3  }
0x60: {  	v3 =	vld [tilespmem:s7+$0xFFFFFFE0];
	[tilespmem:s5+$0x0] =	vst v0  }
0x61: {  	v0 =	vld [tilespmem:s7+$0xFFFFFFF0];
	[tilespmem:s5+$0x10] =	vst v1  }
0x62: {  	v1 =	vld [tilespmem:s7+$0x0];
	[tilespmem:s5+$0x20] =	vst v2  }
0x63: {  	v2 =	vld [tilespmem:s7+$0x10];
	[tilespmem:s5+$0xFFFFFFC0] =	vst v4  }
0x64: {  	v4 =	vld [tilespmem:s7+$0x20]  }
0x65: {  	v7 =	vld [tilespmem:s7+$0xFFFFFFC0]  }
0x66: {  	v6 =	vld.idx.msk [tilespmem:v6+s1+$0x0], $0xffff  }
0x67: {  	v8 =	vld.idx.msk [tilespmem:v5+s1+$0x0], $0xffff  }
0x68: {  	v5 =	vld.idx.msk [tilespmem:v3+s1+$0x0], $0xffff  }
.Ltmp0:
0x69: {  	v3 =	vld.idx.msk [tilespmem:v0+s1+$0x0], $0xffff;
	(pc) =	sbr.rel @p0 .LBB2_2-.Ltmp0, $4  }
0x6a: {  	v0 =	vld.idx.msk [tilespmem:v1+s1+$0x0], $0xffff  }
0x6b: {  	s5 =	sadd.s32 $0x100, s5;
	v1 =	vld.idx.msk [tilespmem:v2+s1+$0x0], $0xffff  }
0x6c: {  	v2 =	vld.idx.msk [tilespmem:v4+s1+$0x0], $0xffff;
	[tilespmem:s5+$0x30] =	vst v6  }
0x6d: {  	s7 =	sadd.s32 $0x80, s7;
	v4 =	vld.idx.msk [tilespmem:v7+s1+$0x0], $0xffff;
	[tilespmem:s5+$0xFFFFFFD0] =	vst v8  }
0x6e: {  	[tilespmem:s5+$0xFFFFFFE0] =	vst v5  }
0x6f: {  	[tilespmem:s5+$0xFFFFFFF0] =	vst v3  }
0x70: {  	[tilespmem:s5+$0x0] =	vst v0  }
0x71: {  	[tilespmem:s5+$0x10] =	vst v1  }
0x72: {  	[tilespmem:s5+$0x20] =	vst v2  }
0x73: {  	s6 =	simm.s32 $0x1C700;
	[tilespmem:s5+$0xFFFFFFC0] =	vst v4;
	s5 =	simm.s32 $0x0  }
.LBB2_4:
0x74: {  	p0 =	sne.s32 s5, $0xF80  }
.Ltmp1:
0x75: {  	_ = 	snop;
	(pc) =	sbr.rel @p0 .LBB2_4-.Ltmp1, $4  }
0x76: {  	_ = 	snop  }
0x77: {  	s7 =	sadd.s32 s5, s12  }
0x78: {  	[hbm4b:s7+s1] =	stream.linear.scatter [tilespmem:s6], [sflag:$0x3], $0x80, $0x38;
	[tilespmem:$0x1E700] =	vst v63  }
0x79: {  	s5 =	sadd.s32 $0x80, s5;
	s6 =	sadd.s32 $0x100, s6  }
0x7a: {  	s5 =	simm.s32 $0x19770  }
0x7b: {  	v0 =	vld [tilespmem:s5+$0x0]  }
0x7c: {  	v1 =	vld [tilespmem:s5+$0xFFFFFFA0]  }
0x7d: {  	v2 =	vld [tilespmem:s5+$0xFFFFFFB0]  }
0x7e: {  	v3 =	vld [tilespmem:s5+$0xFFFFFFC0]  }
0x7f: {  	v4 =	vld [tilespmem:s5+$0xFFFFFFD0]  }
0x80: {  	v6 =	vld [tilespmem:s5+$0xFFFFFFE0]  }
0x81: {  	v7 =	vld [tilespmem:s5+$0xFFFFFFF0]  }
0x82: {  	v8 =	vld [tilespmem:s5+$0xFFFFFF90]  }
0x83: {  	v9 =	vld.idx.msk [tilespmem:v0+s1+$0x0], $0xffff  }
0x84: {  	v10 =	vld.idx.msk [tilespmem:v1+s1+$0x0], $0xffff  }
0x85: {  	v5 =	vld.idx.msk [tilespmem:v2+s1+$0x0], $0xffff  }
0x86: {  	v3 =	vld.idx.msk [tilespmem:v3+s1+$0x0], $0xffff  }
0x87: {  	v0 =	vld.idx.msk [tilespmem:v4+s1+$0x0], $0xffff  }
0x88: {  	s5 =	simm.s32 $0x1C7F0;
	v1 =	vld.idx.msk [tilespmem:v6+s1+$0x0], $0xffff  }
0x89: {  	v2 =	vld.idx.msk [tilespmem:v7+s1+$0x0], $0xffff;
	[tilespmem:s5+$0x0] =	vst v9  }
0x8a: {  	s6 =	simm.s32 $0x0;
	s7 =	simm.s32 $0x197F0;
	v4 =	vld.idx.msk [tilespmem:v8+s1+$0x0], $0xffff;
	[tilespmem:s5+$0xFFFFFFA0] =	vst v10  }
.LBB2_6:
0x8b: {  	v6 =	vld [tilespmem:s7+$0x0];
	s6 =	sadd.s32 $0x80, s6;
	[tilespmem:s5+$0xFFFFFFB0] =	vst v5  }
0x8c: {  	v5 =	vld [tilespmem:s7+$0xFFFFFFA0];
	p0 =	slt.u32 s6, $0xF80;
	[tilespmem:s5+$0xFFFFFFC0] =	vst v3  }
0x8d: {  	v3 =	vld [tilespmem:s7+$0xFFFFFFB0];
	[tilespmem:s5+$0xFFFFFFD0] =	vst v0  }
0x8e: {  	v0 =	vld [tilespmem:s7+$0xFFFFFFC0];
	[tilespmem:s5+$0xFFFFFFE0] =	vst v1  }
0x8f: {  	v1 =	vld [tilespmem:s7+$0xFFFFFFD0];
	[tilespmem:s5+$0xFFFFFFF0] =	vst v2  }
0x90: {  	v2 =	vld [tilespmem:s7+$0xFFFFFFE0];
	[tilespmem:s5+$0xFFFFFF90] =	vst v4  }
0x91: {  	v4 =	vld [tilespmem:s7+$0xFFFFFFF0]  }
0x92: {  	v7 =	vld [tilespmem:s7+$0xFFFFFF90]  }
0x93: {  	v6 =	vld.idx.msk [tilespmem:v6+s1+$0x0], $0xffff  }
0x94: {  	v8 =	vld.idx.msk [tilespmem:v5+s1+$0x0], $0xffff  }
0x95: {  	v5 =	vld.idx.msk [tilespmem:v3+s1+$0x0], $0xffff  }
.Ltmp2:
0x96: {  	v3 =	vld.idx.msk [tilespmem:v0+s1+$0x0], $0xffff;
	(pc) =	sbr.rel @p0 .LBB2_6-.Ltmp2, $4  }
0x97: {  	v0 =	vld.idx.msk [tilespmem:v1+s1+$0x0], $0xffff  }
0x98: {  	s5 =	sadd.s32 $0x100, s5;
	v1 =	vld.idx.msk [tilespmem:v2+s1+$0x0], $0xffff  }
0x99: {  	v2 =	vld.idx.msk [tilespmem:v4+s1+$0x0], $0xffff;
	[tilespmem:s5+$0x0] =	vst v6  }
0x9a: {  	s7 =	sadd.s32 $0x80, s7;
	v4 =	vld.idx.msk [tilespmem:v7+s1+$0x0], $0xffff;
	[tilespmem:s5+$0xFFFFFFA0] =	vst v8  }
0x9b: {  	[tilespmem:s5+$0xFFFFFFB0] =	vst v5  }
0x9c: {  	[tilespmem:s5+$0xFFFFFFC0] =	vst v3  }
0x9d: {  	[tilespmem:s5+$0xFFFFFFD0] =	vst v0  }
0x9e: {  	[tilespmem:s5+$0xFFFFFFE0] =	vst v1  }
0x9f: {  	s6 =	simm.s32 $0x1C780;
	[tilespmem:s5+$0xFFFFFFF0] =	vst v2  }
0xa0: {  	s8 =	sadd.s32 $0x0, s13;
	s7 =	simm.s32 $0x1C880;
	[tilespmem:s5+$0xFFFFFF90] =	vst v4;
	s5 =	simm.s32 $0x80  }
.LBB2_8:
0xa1: {  	[hbm4b:s8+s1] =	stream.linear.scatter [tilespmem:s6], [sflag:$0x3], $0x80, $0x38;
	[tilespmem:$0x1E700] =	vst v63  }
0xa2: {  	s8 =	smov.u32 s5;
	s6 =	smov.u32 s7;
	p0 =	sne.s32 s5, $0xF80  }
.Ltmp3:
0xa3: {  	s5 =	sadd.s32 $0x80, s5;
	(pc) =	sbr.rel @p0 .LBB2_8-.Ltmp3, $2  }
0xa4: {  	_ =	sdelay $0x2  }
0xa5: {  	s7 =	sadd.s32 $0x100, s7;
	s8 =	sadd.s32 s8, s13  }
0xa6: {  	[hbm4b:s8+s1] =	stream.linear.scatter [tilespmem:s6], [sflag:$0x3], $0x80, $0x38;
	[tilespmem:$0x1E700] =	vst v63  }
0xa7: {  	_ =	swait.ge [sflag:s3], $0x1000  }
0xa8: {  	[sflag:s3] =	ssyncset.done $0x0  }
0xa9: {  	s5 =	simm.s32 $0x1A770;
	[sflag:s3] =	ssyncadd.s32 $0xFFFFF000  }
0xaa: {  	v0 =	vld [tilespmem:s5+$0x0]  }
0xab: {  	v1 =	vld [tilespmem:s5+$0xFFFFFFA0]  }
0xac: {  	v2 =	vld [tilespmem:s5+$0xFFFFFFB0]  }
0xad: {  	v3 =	vld [tilespmem:s5+$0xFFFFFFC0]  }
0xae: {  	v4 =	vld [tilespmem:s5+$0xFFFFFFD0]  }
0xaf: {  	v6 =	vld [tilespmem:s5+$0xFFFFFFE0]  }
0xb0: {  	v7 =	vld [tilespmem:s5+$0xFFFFFFF0]  }
0xb1: {  	v8 =	vld [tilespmem:s5+$0xFFFFFF90]  }
0xb2: {  	v9 =	vld.idx.msk [tilespmem:v0+s1+$0x0], $0xffff  }
0xb3: {  	v10 =	vld.idx.msk [tilespmem:v1+s1+$0x0], $0xffff  }
0xb4: {  	v5 =	vld.idx.msk [tilespmem:v2+s1+$0x0], $0xffff  }
0xb5: {  	v3 =	vld.idx.msk [tilespmem:v3+s1+$0x0], $0xffff  }
0xb6: {  	v0 =	vld.idx.msk [tilespmem:v4+s1+$0x0], $0xffff  }
0xb7: {  	s5 =	simm.s32 $0x1C740;
	v1 =	vld.idx.msk [tilespmem:v6+s1+$0x0], $0xffff  }
0xb8: {  	v2 =	vld.idx.msk [tilespmem:v7+s1+$0x0], $0xffff;
	[tilespmem:s5+$0x30] =	vst v9  }
0xb9: {  	s6 =	simm.s32 $0x0;
	s7 =	simm.s32 $0x1A7F0;
	v4 =	vld.idx.msk [tilespmem:v8+s1+$0x0], $0xffff;
	[tilespmem:s5+$0xFFFFFFD0] =	vst v10  }
.LBB2_10:
0xba: {  	v6 =	vld [tilespmem:s7+$0x0];
	s6 =	sadd.s32 $0x80, s6;
	[tilespmem:s5+$0xFFFFFFE0] =	vst v5  }
0xbb: {  	v5 =	vld [tilespmem:s7+$0xFFFFFFA0];
	p0 =	slt.u32 s6, $0xF80;
	[tilespmem:s5+$0xFFFFFFF0] =	vst v3  }
0xbc: {  	v3 =	vld [tilespmem:s7+$0xFFFFFFB0];
	[tilespmem:s5+$0x0] =	vst v0  }
0xbd: {  	v0 =	vld [tilespmem:s7+$0xFFFFFFC0];
	[tilespmem:s5+$0x10] =	vst v1  }
0xbe: {  	v1 =	vld [tilespmem:s7+$0xFFFFFFD0];
	[tilespmem:s5+$0x20] =	vst v2  }
0xbf: {  	v2 =	vld [tilespmem:s7+$0xFFFFFFE0];
	[tilespmem:s5+$0xFFFFFFC0] =	vst v4  }
0xc0: {  	v4 =	vld [tilespmem:s7+$0xFFFFFFF0]  }
0xc1: {  	v7 =	vld [tilespmem:s7+$0xFFFFFF90]  }
0xc2: {  	v6 =	vld.idx.msk [tilespmem:v6+s1+$0x0], $0xffff  }
0xc3: {  	v8 =	vld.idx.msk [tilespmem:v5+s1+$0x0], $0xffff  }
0xc4: {  	v5 =	vld.idx.msk [tilespmem:v3+s1+$0x0], $0xffff  }
.Ltmp4:
0xc5: {  	v3 =	vld.idx.msk [tilespmem:v0+s1+$0x0], $0xffff;
	(pc) =	sbr.rel @p0 .LBB2_10-.Ltmp4, $4  }
0xc6: {  	v0 =	vld.idx.msk [tilespmem:v1+s1+$0x0], $0xffff  }
0xc7: {  	s5 =	sadd.s32 $0x100, s5;
	v1 =	vld.idx.msk [tilespmem:v2+s1+$0x0], $0xffff  }
0xc8: {  	v2 =	vld.idx.msk [tilespmem:v4+s1+$0x0], $0xffff;
	[tilespmem:s5+$0x30] =	vst v6  }
0xc9: {  	s7 =	sadd.s32 $0x80, s7;
	v4 =	vld.idx.msk [tilespmem:v7+s1+$0x0], $0xffff;
	[tilespmem:s5+$0xFFFFFFD0] =	vst v8  }
0xca: {  	[tilespmem:s5+$0xFFFFFFE0] =	vst v5  }
0xcb: {  	[tilespmem:s5+$0xFFFFFFF0] =	vst v3  }
0xcc: {  	[tilespmem:s5+$0x0] =	vst v0  }
0xcd: {  	[tilespmem:s5+$0x10] =	vst v1  }
0xce: {  	s6 =	simm.s32 $0x1C700;
	[tilespmem:s5+$0x20] =	vst v2  }
0xcf: {  	s8 =	sadd.s32 $0x0, s15;
	s7 =	simm.s32 $0x1C800;
	[tilespmem:s5+$0xFFFFFFC0] =	vst v4;
	s5 =	simm.s32 $0x80  }
.LBB2_12:
0xd0: {  	[hbm4b:s8+s1] =	stream.linear.scatter [tilespmem:s6], [sflag:$0x3], $0x80, $0x38;
	[tilespmem:$0x1E700] =	vst v63  }
0xd1: {  	s8 =	smov.u32 s5;
	s6 =	smov.u32 s7;
	p0 =	sne.s32 s5, $0xF80  }
.Ltmp5:
0xd2: {  	s5 =	sadd.s32 $0x80, s5;
	(pc) =	sbr.rel @p0 .LBB2_12-.Ltmp5, $2  }
0xd3: {  	_ =	sdelay $0x2  }
0xd4: {  	s7 =	sadd.s32 $0x100, s7;
	s8 =	sadd.s32 s8, s15  }
0xd5: {  	[hbm4b:s8+s1] =	stream.linear.scatter [tilespmem:s6], [sflag:$0x3], $0x80, $0x38;
	[tilespmem:$0x1E700] =	vst v63  }
0xd6: {  	_ =	swait.ge [sflag:s3], $0x1000  }
0xd7: {  	[sflag:s3] =	ssyncset.done $0x0  }
0xd8: {  	s5 =	simm.s32 $0x1B770;
	[sflag:s3] =	ssyncadd.s32 $0xFFFFF000  }
0xd9: {  	v0 =	vld [tilespmem:s5+$0x0]  }
0xda: {  	v1 =	vld [tilespmem:s5+$0xFFFFFFA0]  }
0xdb: {  	v2 =	vld [tilespmem:s5+$0xFFFFFFB0]  }
0xdc: {  	v3 =	vld [tilespmem:s5+$0xFFFFFFC0]  }
0xdd: {  	v4 =	vld [tilespmem:s5+$0xFFFFFFD0]  }
0xde: {  	v6 =	vld [tilespmem:s5+$0xFFFFFFE0]  }
0xdf: {  	v7 =	vld [tilespmem:s5+$0xFFFFFFF0]  }
0xe0: {  	v8 =	vld [tilespmem:s5+$0xFFFFFF90]  }
0xe1: {  	v9 =	vld.idx.msk [tilespmem:v0+s1+$0x0], $0xffff  }
0xe2: {  	v10 =	vld.idx.msk [tilespmem:v1+s1+$0x0], $0xffff  }
0xe3: {  	v5 =	vld.idx.msk [tilespmem:v2+s1+$0x0], $0xffff  }
0xe4: {  	v3 =	vld.idx.msk [tilespmem:v3+s1+$0x0], $0xffff  }
0xe5: {  	v0 =	vld.idx.msk [tilespmem:v4+s1+$0x0], $0xffff  }
0xe6: {  	s5 =	simm.s32 $0x1C7F0;
	v1 =	vld.idx.msk [tilespmem:v6+s1+$0x0], $0xffff  }
0xe7: {  	v2 =	vld.idx.msk [tilespmem:v7+s1+$0x0], $0xffff;
	[tilespmem:s5+$0x0] =	vst v9  }
0xe8: {  	s6 =	simm.s32 $0x0;
	s7 =	simm.s32 $0x1B7F0;
	v4 =	vld.idx.msk [tilespmem:v8+s1+$0x0], $0xffff;
	[tilespmem:s5+$0xFFFFFFA0] =	vst v10  }
.LBB2_14:
0xe9: {  	v6 =	vld [tilespmem:s7+$0x0];
	s6 =	sadd.s32 $0x80, s6;
	[tilespmem:s5+$0xFFFFFFB0] =	vst v5  }
0xea: {  	v5 =	vld [tilespmem:s7+$0xFFFFFFA0];
	p0 =	slt.u32 s6, $0xF80;
	[tilespmem:s5+$0xFFFFFFC0] =	vst v3  }
0xeb: {  	v3 =	vld [tilespmem:s7+$0xFFFFFFB0];
	[tilespmem:s5+$0xFFFFFFD0] =	vst v0  }
0xec: {  	v0 =	vld [tilespmem:s7+$0xFFFFFFC0];
	[tilespmem:s5+$0xFFFFFFE0] =	vst v1  }
0xed: {  	v1 =	vld [tilespmem:s7+$0xFFFFFFD0];
	[tilespmem:s5+$0xFFFFFFF0] =	vst v2  }
0xee: {  	v2 =	vld [tilespmem:s7+$0xFFFFFFE0];
	[tilespmem:s5+$0xFFFFFF90] =	vst v4  }
0xef: {  	v4 =	vld [tilespmem:s7+$0xFFFFFFF0]  }
0xf0: {  	v7 =	vld [tilespmem:s7+$0xFFFFFF90]  }
0xf1: {  	v6 =	vld.idx.msk [tilespmem:v6+s1+$0x0], $0xffff  }
0xf2: {  	v8 =	vld.idx.msk [tilespmem:v5+s1+$0x0], $0xffff  }
0xf3: {  	v5 =	vld.idx.msk [tilespmem:v3+s1+$0x0], $0xffff  }
.Ltmp6:
0xf4: {  	v3 =	vld.idx.msk [tilespmem:v0+s1+$0x0], $0xffff;
	(pc) =	sbr.rel @p0 .LBB2_14-.Ltmp6, $4  }
0xf5: {  	v0 =	vld.idx.msk [tilespmem:v1+s1+$0x0], $0xffff  }
0xf6: {  	s5 =	sadd.s32 $0x100, s5;
	v1 =	vld.idx.msk [tilespmem:v2+s1+$0x0], $0xffff  }
0xf7: {  	v2 =	vld.idx.msk [tilespmem:v4+s1+$0x0], $0xffff;
	[tilespmem:s5+$0x0] =	vst v6  }
0xf8: {  	s7 =	sadd.s32 $0x80, s7;
	v4 =	vld.idx.msk [tilespmem:v7+s1+$0x0], $0xffff;
	[tilespmem:s5+$0xFFFFFFA0] =	vst v8  }
0xf9: {  	[tilespmem:s5+$0xFFFFFFB0] =	vst v5  }
0xfa: {  	[tilespmem:s5+$0xFFFFFFC0] =	vst v3  }
0xfb: {  	[tilespmem:s5+$0xFFFFFFD0] =	vst v0  }
0xfc: {  	[tilespmem:s5+$0xFFFFFFE0] =	vst v1  }
0xfd: {  	[tilespmem:s5+$0xFFFFFFF0] =	vst v2  }
0xfe: {  	s8 =	simm.s32 $0x0;
	s6 =	simm.s32 $0x80;
	[tilespmem:s5+$0xFFFFFF90] =	vst v4  }
0xff: {  	[tilespmem:s8], [sflag:$0x2] =	stream.strided.gather [hbm4b:s11+s31], $0x18700, s14, s31, $0x38;
	[tilespmem:$0x1E700] =	vst v63  }
0x100: {  	s7 =	simm.s32 $0x1C880;
	s5 =	simm.s32 $0x1C780;
	s8 =	sadd.s32 $0x0, s16  }
.LBB2_16:
0x101: {  	[hbm4b:s8+s1] =	stream.linear.scatter [tilespmem:s5], [sflag:$0x3], $0x80, $0x38;
	[tilespmem:$0x1E700] =	vst v63  }
0x102: {  	s8 =	smov.u32 s6;
	s5 =	smov.u32 s7;
	p0 =	sne.s32 s6, $0xF80  }
.Ltmp7:
0x103: {  	s6 =	sadd.s32 $0x80, s6;
	(pc) =	sbr.rel @p0 .LBB2_16-.Ltmp7, $2  }
0x104: {  	_ =	sdelay $0x2  }
0x105: {  	s7 =	sadd.s32 $0x100, s7;
	s8 =	sadd.s32 s8, s16  }
0x106: {  	[hbm4b:s8+s1] =	stream.linear.scatter [tilespmem:s5], [sflag:$0x3], $0x80, $0x38;
	[tilespmem:$0x1E700] =	vst v63  }
0x107: {  	_ =	swait.ge [sflag:s2], $0x18700  }
0x108: {  	[sflag:s2] =	ssyncset.done $0x0  }
0x109: {  	[sflag:s2] =	ssyncadd.s32 $0xFFFE7900  }
0x10a: {  	_ =	swait.ge [sflag:s3], $0x1000  }
0x10b: {  	[sflag:s3] =	ssyncset.done $0x0  }
0x10c: {  	s8 =	simm.s32 $0x18740;
	[sflag:s3] =	ssyncadd.s32 $0xFFFFF000  }
0x10d: {  	v0 =	vld [tilespmem:s8+$0x30]  }
0x10e: {  	v1 =	vld [tilespmem:s8+$0xFFFFFFD0]  }
0x10f: {  	v2 =	vld [tilespmem:s8+$0xFFFFFFE0]  }
0x110: {  	v3 =	vld [tilespmem:s8+$0xFFFFFFF0]  }
0x111: {  	v4 =	vld [tilespmem:s8+$0x0]  }
0x112: {  	v6 =	vld [tilespmem:s8+$0x10]  }
0x113: {  	v7 =	vld [tilespmem:s8+$0x20]  }
0x114: {  	v8 =	vld [tilespmem:s8+$0xFFFFFFC0]  }
0x115: {  	v9 =	vld.idx.msk [tilespmem:v0+s1+$0x0], $0xffff  }
0x116: {  	v10 =	vld.idx.msk [tilespmem:v1+s1+$0x0], $0xffff  }
0x117: {  	v5 =	vld.idx.msk [tilespmem:v2+s1+$0x0], $0xffff  }
0x118: {  	v3 =	vld.idx.msk [tilespmem:v3+s1+$0x0], $0xffff  }
0x119: {  	v0 =	vld.idx.msk [tilespmem:v4+s1+$0x0], $0xffff  }
0x11a: {  	s5 =	simm.s32 $0x1C740;
	v1 =	vld.idx.msk [tilespmem:v6+s1+$0x0], $0xffff  }
0x11b: {  	v2 =	vld.idx.msk [tilespmem:v7+s1+$0x0], $0xffff;
	[tilespmem:s5+$0x30] =	vst v9  }
0x11c: {  	s6 =	simm.s32 $0x0;
	s7 =	simm.s32 $0x187C0;
	v4 =	vld.idx.msk [tilespmem:v8+s1+$0x0], $0xffff;
	[tilespmem:s5+$0xFFFFFFD0] =	vst v10  }
.LBB2_18:
0x11d: {  	v6 =	vld [tilespmem:s7+$0x30];
	s6 =	sadd.s32 $0x80, s6;
	[tilespmem:s5+$0xFFFFFFE0] =	vst v5  }
0x11e: {  	v5 =	vld [tilespmem:s7+$0xFFFFFFD0];
	p0 =	slt.u32 s6, $0xF80;
	[tilespmem:s5+$0xFFFFFFF0] =	vst v3  }
0x11f: {  	v3 =	vld [tilespmem:s7+$0xFFFFFFE0];
	[tilespmem:s5+$0x0] =	vst v0  }
0x120: {  	v0 =	vld [tilespmem:s7+$0xFFFFFFF0];
	[tilespmem:s5+$0x10] =	vst v1  }
0x121: {  	v1 =	vld [tilespmem:s7+$0x0];
	[tilespmem:s5+$0x20] =	vst v2  }
0x122: {  	v2 =	vld [tilespmem:s7+$0x10];
	[tilespmem:s5+$0xFFFFFFC0] =	vst v4  }
0x123: {  	v4 =	vld [tilespmem:s7+$0x20]  }
0x124: {  	v7 =	vld [tilespmem:s7+$0xFFFFFFC0]  }
0x125: {  	v6 =	vld.idx.msk [tilespmem:v6+s1+$0x0], $0xffff  }
0x126: {  	v8 =	vld.idx.msk [tilespmem:v5+s1+$0x0], $0xffff  }
0x127: {  	v5 =	vld.idx.msk [tilespmem:v3+s1+$0x0], $0xffff  }
.Ltmp8:
0x128: {  	v3 =	vld.idx.msk [tilespmem:v0+s1+$0x0], $0xffff;
	(pc) =	sbr.rel @p0 .LBB2_18-.Ltmp8, $4  }
0x129: {  	v0 =	vld.idx.msk [tilespmem:v1+s1+$0x0], $0xffff  }
0x12a: {  	s5 =	sadd.s32 $0x100, s5;
	v1 =	vld.idx.msk [tilespmem:v2+s1+$0x0], $0xffff  }
0x12b: {  	v2 =	vld.idx.msk [tilespmem:v4+s1+$0x0], $0xffff;
	[tilespmem:s5+$0x30] =	vst v6  }
0x12c: {  	s7 =	sadd.s32 $0x80, s7;
	v4 =	vld.idx.msk [tilespmem:v7+s1+$0x0], $0xffff;
	[tilespmem:s5+$0xFFFFFFD0] =	vst v8  }
0x12d: {  	[tilespmem:s5+$0xFFFFFFE0] =	vst v5  }
0x12e: {  	[tilespmem:s5+$0xFFFFFFF0] =	vst v3  }
0x12f: {  	[tilespmem:s5+$0x0] =	vst v0  }
0x130: {  	[tilespmem:s5+$0x10] =	vst v1  }
0x131: {  	s6 =	simm.s32 $0x1C700;
	[tilespmem:s5+$0x20] =	vst v2  }
0x132: {  	s8 =	sadd.s32 $0x0, s17;
	s7 =	simm.s32 $0x1C800;
	[tilespmem:s5+$0xFFFFFFC0] =	vst v4;
	s5 =	simm.s32 $0x80  }
.LBB2_20:
0x133: {  	[hbm4b:s8+s1] =	stream.linear.scatter [tilespmem:s6], [sflag:$0x3], $0x80, $0x38;
	[tilespmem:$0x1E700] =	vst v63  }
0x134: {  	s8 =	smov.u32 s5;
	s6 =	smov.u32 s7;
	p0 =	sne.s32 s5, $0xF80  }
.Ltmp9:
0x135: {  	s5 =	sadd.s32 $0x80, s5;
	(pc) =	sbr.rel @p0 .LBB2_20-.Ltmp9, $2  }
0x136: {  	_ =	sdelay $0x2  }
0x137: {  	s7 =	sadd.s32 $0x100, s7;
	s8 =	sadd.s32 s8, s17  }
0x138: {  	[hbm4b:s8+s1] =	stream.linear.scatter [tilespmem:s6], [sflag:$0x3], $0x80, $0x38;
	[tilespmem:$0x1E700] =	vst v63  }
0x139: {  	_ =	swait.ge [sflag:s3], $0x1000  }
0x13a: {  	[sflag:s3] =	ssyncset.done $0x0  }
0x13b: {  	s5 =	simm.s32 $0x19770;
	[sflag:s3] =	ssyncadd.s32 $0xFFFFF000  }
0x13c: {  	v0 =	vld [tilespmem:s5+$0x0]  }
0x13d: {  	v1 =	vld [tilespmem:s5+$0xFFFFFFA0]  }
0x13e: {  	v2 =	vld [tilespmem:s5+$0xFFFFFFB0]  }
0x13f: {  	v3 =	vld [tilespmem:s5+$0xFFFFFFC0]  }
0x140: {  	v4 =	vld [tilespmem:s5+$0xFFFFFFD0]  }
0x141: {  	v6 =	vld [tilespmem:s5+$0xFFFFFFE0]  }
0x142: {  	v7 =	vld [tilespmem:s5+$0xFFFFFFF0]  }
0x143: {  	v8 =	vld [tilespmem:s5+$0xFFFFFF90]  }
0x144: {  	v9 =	vld.idx.msk [tilespmem:v0+s1+$0x0], $0xffff  }
0x145: {  	v10 =	vld.idx.msk [tilespmem:v1+s1+$0x0], $0xffff  }
0x146: {  	v5 =	vld.idx.msk [tilespmem:v2+s1+$0x0], $0xffff  }
0x147: {  	v3 =	vld.idx.msk [tilespmem:v3+s1+$0x0], $0xffff  }
0x148: {  	v0 =	vld.idx.msk [tilespmem:v4+s1+$0x0], $0xffff  }
0x149: {  	s5 =	simm.s32 $0x1C7F0;
	v1 =	vld.idx.msk [tilespmem:v6+s1+$0x0], $0xffff  }
0x14a: {  	v2 =	vld.idx.msk [tilespmem:v7+s1+$0x0], $0xffff;
	[tilespmem:s5+$0x0] =	vst v9  }
0x14b: {  	s6 =	simm.s32 $0x0;
	s7 =	simm.s32 $0x197F0;
	v4 =	vld.idx.msk [tilespmem:v8+s1+$0x0], $0xffff;
	[tilespmem:s5+$0xFFFFFFA0] =	vst v10  }
.LBB2_22:
0x14c: {  	v6 =	vld [tilespmem:s7+$0x0];
	s6 =	sadd.s32 $0x80, s6;
	[tilespmem:s5+$0xFFFFFFB0] =	vst v5  }
0x14d: {  	v5 =	vld [tilespmem:s7+$0xFFFFFFA0];
	p0 =	slt.u32 s6, $0xF80;
	[tilespmem:s5+$0xFFFFFFC0] =	vst v3  }
0x14e: {  	v3 =	vld [tilespmem:s7+$0xFFFFFFB0];
	[tilespmem:s5+$0xFFFFFFD0] =	vst v0  }
0x14f: {  	v0 =	vld [tilespmem:s7+$0xFFFFFFC0];
	[tilespmem:s5+$0xFFFFFFE0] =	vst v1  }
0x150: {  	v1 =	vld [tilespmem:s7+$0xFFFFFFD0];
	[tilespmem:s5+$0xFFFFFFF0] =	vst v2  }
0x151: {  	v2 =	vld [tilespmem:s7+$0xFFFFFFE0];
	[tilespmem:s5+$0xFFFFFF90] =	vst v4  }
0x152: {  	v4 =	vld [tilespmem:s7+$0xFFFFFFF0]  }
0x153: {  	v7 =	vld [tilespmem:s7+$0xFFFFFF90]  }
0x154: {  	v6 =	vld.idx.msk [tilespmem:v6+s1+$0x0], $0xffff  }
0x155: {  	v8 =	vld.idx.msk [tilespmem:v5+s1+$0x0], $0xffff  }
0x156: {  	v5 =	vld.idx.msk [tilespmem:v3+s1+$0x0], $0xffff  }
.Ltmp10:
0x157: {  	v3 =	vld.idx.msk [tilespmem:v0+s1+$0x0], $0xffff;
	(pc) =	sbr.rel @p0 .LBB2_22-.Ltmp10, $4  }
0x158: {  	v0 =	vld.idx.msk [tilespmem:v1+s1+$0x0], $0xffff  }
0x159: {  	s5 =	sadd.s32 $0x100, s5;
	v1 =	vld.idx.msk [tilespmem:v2+s1+$0x0], $0xffff  }
0x15a: {  	v2 =	vld.idx.msk [tilespmem:v4+s1+$0x0], $0xffff;
	[tilespmem:s5+$0x0] =	vst v6  }
0x15b: {  	s7 =	sadd.s32 $0x80, s7;
	v4 =	vld.idx.msk [tilespmem:v7+s1+$0x0], $0xffff;
	[tilespmem:s5+$0xFFFFFFA0] =	vst v8  }
0x15c: {  	[tilespmem:s5+$0xFFFFFFB0] =	vst v5  }
0x15d: {  	[tilespmem:s5+$0xFFFFFFC0] =	vst v3  }
0x15e: {  	[tilespmem:s5+$0xFFFFFFD0] =	vst v0  }
0x15f: {  	[tilespmem:s5+$0xFFFFFFE0] =	vst v1  }
0x160: {  	s6 =	simm.s32 $0x1C780;
	[tilespmem:s5+$0xFFFFFFF0] =	vst v2  }
0x161: {  	s8 =	sadd.s32 $0x0, s18;
	s7 =	simm.s32 $0x1C880;
	[tilespmem:s5+$0xFFFFFF90] =	vst v4;
	s5 =	simm.s32 $0x80  }
.LBB2_24:
0x162: {  	[hbm4b:s8+s1] =	stream.linear.scatter [tilespmem:s6], [sflag:$0x3], $0x80, $0x38;
	[tilespmem:$0x1E700] =	vst v63  }
0x163: {  	s8 =	smov.u32 s5;
	s6 =	smov.u32 s7;
	p0 =	sne.s32 s5, $0xF80  }
.Ltmp11:
0x164: {  	s5 =	sadd.s32 $0x80, s5;
	(pc) =	sbr.rel @p0 .LBB2_24-.Ltmp11, $2  }
0x165: {  	_ =	sdelay $0x2  }
0x166: {  	s7 =	sadd.s32 $0x100, s7;
	s8 =	sadd.s32 s8, s18  }
0x167: {  	[hbm4b:s8+s1] =	stream.linear.scatter [tilespmem:s6], [sflag:$0x3], $0x80, $0x38;
	[tilespmem:$0x1E700] =	vst v63  }
0x168: {  	_ =	swait.ge [sflag:s3], $0x1000  }
0x169: {  	[sflag:s3] =	ssyncset.done $0x0  }
0x16a: {  	s5 =	simm.s32 $0x1A770;
	[sflag:s3] =	ssyncadd.s32 $0xFFFFF000  }
0x16b: {  	v0 =	vld [tilespmem:s5+$0x0]  }
0x16c: {  	v1 =	vld [tilespmem:s5+$0xFFFFFFA0]  }
0x16d: {  	v2 =	vld [tilespmem:s5+$0xFFFFFFB0]  }
0x16e: {  	v3 =	vld [tilespmem:s5+$0xFFFFFFC0]  }
0x16f: {  	v4 =	vld [tilespmem:s5+$0xFFFFFFD0]  }
0x170: {  	v6 =	vld [tilespmem:s5+$0xFFFFFFE0]  }
0x171: {  	v7 =	vld [tilespmem:s5+$0xFFFFFFF0]  }
0x172: {  	v8 =	vld [tilespmem:s5+$0xFFFFFF90]  }
0x173: {  	v9 =	vld.idx.msk [tilespmem:v0+s1+$0x0], $0xffff  }
0x174: {  	v10 =	vld.idx.msk [tilespmem:v1+s1+$0x0], $0xffff  }
0x175: {  	v5 =	vld.idx.msk [tilespmem:v2+s1+$0x0], $0xffff  }
0x176: {  	v3 =	vld.idx.msk [tilespmem:v3+s1+$0x0], $0xffff  }
0x177: {  	v0 =	vld.idx.msk [tilespmem:v4+s1+$0x0], $0xffff  }
0x178: {  	s5 =	simm.s32 $0x1C740;
	v1 =	vld.idx.msk [tilespmem:v6+s1+$0x0], $0xffff  }
0x179: {  	v2 =	vld.idx.msk [tilespmem:v7+s1+$0x0], $0xffff;
	[tilespmem:s5+$0x30] =	vst v9  }
0x17a: {  	s6 =	simm.s32 $0x0;
	s7 =	simm.s32 $0x1A7F0;
	v4 =	vld.idx.msk [tilespmem:v8+s1+$0x0], $0xffff;
	[tilespmem:s5+$0xFFFFFFD0] =	vst v10  }
.LBB2_26:
0x17b: {  	v6 =	vld [tilespmem:s7+$0x0];
	s6 =	sadd.s32 $0x80, s6;
	[tilespmem:s5+$0xFFFFFFE0] =	vst v5  }
0x17c: {  	v5 =	vld [tilespmem:s7+$0xFFFFFFA0];
	p0 =	slt.u32 s6, $0xF80;
	[tilespmem:s5+$0xFFFFFFF0] =	vst v3  }
0x17d: {  	v3 =	vld [tilespmem:s7+$0xFFFFFFB0];
	[tilespmem:s5+$0x0] =	vst v0  }
0x17e: {  	v0 =	vld [tilespmem:s7+$0xFFFFFFC0];
	[tilespmem:s5+$0x10] =	vst v1  }
0x17f: {  	v1 =	vld [tilespmem:s7+$0xFFFFFFD0];
	[tilespmem:s5+$0x20] =	vst v2  }
0x180: {  	v2 =	vld [tilespmem:s7+$0xFFFFFFE0];
	[tilespmem:s5+$0xFFFFFFC0] =	vst v4  }
0x181: {  	v4 =	vld [tilespmem:s7+$0xFFFFFFF0]  }
0x182: {  	v7 =	vld [tilespmem:s7+$0xFFFFFF90]  }
0x183: {  	v6 =	vld.idx.msk [tilespmem:v6+s1+$0x0], $0xffff  }
0x184: {  	v8 =	vld.idx.msk [tilespmem:v5+s1+$0x0], $0xffff  }
0x185: {  	v5 =	vld.idx.msk [tilespmem:v3+s1+$0x0], $0xffff  }
.Ltmp12:
0x186: {  	v3 =	vld.idx.msk [tilespmem:v0+s1+$0x0], $0xffff;
	(pc) =	sbr.rel @p0 .LBB2_26-.Ltmp12, $4  }
0x187: {  	v0 =	vld.idx.msk [tilespmem:v1+s1+$0x0], $0xffff  }
0x188: {  	s5 =	sadd.s32 $0x100, s5;
	v1 =	vld.idx.msk [tilespmem:v2+s1+$0x0], $0xffff  }
0x189: {  	v2 =	vld.idx.msk [tilespmem:v4+s1+$0x0], $0xffff;
	[tilespmem:s5+$0x30] =	vst v6  }
0x18a: {  	s7 =	sadd.s32 $0x80, s7;
	v4 =	vld.idx.msk [tilespmem:v7+s1+$0x0], $0xffff;
	[tilespmem:s5+$0xFFFFFFD0] =	vst v8  }
0x18b: {  	[tilespmem:s5+$0xFFFFFFE0] =	vst v5  }
0x18c: {  	[tilespmem:s5+$0xFFFFFFF0] =	vst v3  }
0x18d: {  	[tilespmem:s5+$0x0] =	vst v0  }
0x18e: {  	[tilespmem:s5+$0x10] =	vst v1  }
0x18f: {  	s6 =	simm.s32 $0x1C700;
	[tilespmem:s5+$0x20] =	vst v2  }
0x190: {  	s8 =	sadd.s32 $0x0, s19;
	s7 =	simm.s32 $0x1C800;
	[tilespmem:s5+$0xFFFFFFC0] =	vst v4;
	s5 =	simm.s32 $0x80  }
.LBB2_28:
0x191: {  	[hbm4b:s8+s1] =	stream.linear.scatter [tilespmem:s6], [sflag:$0x3], $0x80, $0x38;
	[tilespmem:$0x1E700] =	vst v63  }
0x192: {  	s8 =	smov.u32 s5;
	s6 =	smov.u32 s7;
	p0 =	sne.s32 s5, $0xF80  }
.Ltmp13:
0x193: {  	s5 =	sadd.s32 $0x80, s5;
	(pc) =	sbr.rel @p0 .LBB2_28-.Ltmp13, $2  }
0x194: {  	_ =	sdelay $0x2  }
0x195: {  	s7 =	sadd.s32 $0x100, s7;
	s8 =	sadd.s32 s8, s19  }
0x196: {  	[hbm4b:s8+s1] =	stream.linear.scatter [tilespmem:s6], [sflag:$0x3], $0x80, $0x38;
	[tilespmem:$0x1E700] =	vst v63  }
0x197: {  	_ =	swait.ge [sflag:s3], $0x1000  }
0x198: {  	[sflag:s3] =	ssyncset.done $0x0  }
0x199: {  	s5 =	simm.s32 $0x1B770;
	[sflag:s3] =	ssyncadd.s32 $0xFFFFF000  }
0x19a: {  	v0 =	vld [tilespmem:s5+$0x0]  }
0x19b: {  	v1 =	vld [tilespmem:s5+$0xFFFFFFA0]  }
0x19c: {  	v2 =	vld [tilespmem:s5+$0xFFFFFFB0]  }
0x19d: {  	v3 =	vld [tilespmem:s5+$0xFFFFFFC0]  }
0x19e: {  	v4 =	vld [tilespmem:s5+$0xFFFFFFD0]  }
0x19f: {  	v6 =	vld [tilespmem:s5+$0xFFFFFFE0]  }
0x1a0: {  	v7 =	vld [tilespmem:s5+$0xFFFFFFF0]  }
0x1a1: {  	v8 =	vld [tilespmem:s5+$0xFFFFFF90]  }
0x1a2: {  	v9 =	vld.idx.msk [tilespmem:v0+s1+$0x0], $0xffff  }
0x1a3: {  	v10 =	vld.idx.msk [tilespmem:v1+s1+$0x0], $0xffff  }
0x1a4: {  	v5 =	vld.idx.msk [tilespmem:v2+s1+$0x0], $0xffff  }
0x1a5: {  	v3 =	vld.idx.msk [tilespmem:v3+s1+$0x0], $0xffff  }
0x1a6: {  	v0 =	vld.idx.msk [tilespmem:v4+s1+$0x0], $0xffff  }
0x1a7: {  	s5 =	simm.s32 $0x1C7F0;
	v1 =	vld.idx.msk [tilespmem:v6+s1+$0x0], $0xffff  }
0x1a8: {  	v2 =	vld.idx.msk [tilespmem:v7+s1+$0x0], $0xffff;
	[tilespmem:s5+$0x0] =	vst v9  }
0x1a9: {  	s6 =	simm.s32 $0x0;
	s7 =	simm.s32 $0x1B7F0;
	v4 =	vld.idx.msk [tilespmem:v8+s1+$0x0], $0xffff;
	[tilespmem:s5+$0xFFFFFFA0] =	vst v10  }
.LBB2_30:
0x1aa: {  	v6 =	vld [tilespmem:s7+$0x0];
	s6 =	sadd.s32 $0x80, s6;
	[tilespmem:s5+$0xFFFFFFB0] =	vst v5  }
0x1ab: {  	v5 =	vld [tilespmem:s7+$0xFFFFFFA0];
	p0 =	slt.u32 s6, $0xF80;
	[tilespmem:s5+$0xFFFFFFC0] =	vst v3  }
0x1ac: {  	v3 =	vld [tilespmem:s7+$0xFFFFFFB0];
	[tilespmem:s5+$0xFFFFFFD0] =	vst v0  }
0x1ad: {  	v0 =	vld [tilespmem:s7+$0xFFFFFFC0];
	[tilespmem:s5+$0xFFFFFFE0] =	vst v1  }
0x1ae: {  	v1 =	vld [tilespmem:s7+$0xFFFFFFD0];
	[tilespmem:s5+$0xFFFFFFF0] =	vst v2  }
0x1af: {  	v2 =	vld [tilespmem:s7+$0xFFFFFFE0];
	[tilespmem:s5+$0xFFFFFF90] =	vst v4  }
0x1b0: {  	v4 =	vld [tilespmem:s7+$0xFFFFFFF0]  }
0x1b1: {  	v7 =	vld [tilespmem:s7+$0xFFFFFF90]  }
0x1b2: {  	v6 =	vld.idx.msk [tilespmem:v6+s1+$0x0], $0xffff  }
0x1b3: {  	v8 =	vld.idx.msk [tilespmem:v5+s1+$0x0], $0xffff  }
0x1b4: {  	v5 =	vld.idx.msk [tilespmem:v3+s1+$0x0], $0xffff  }
.Ltmp14:
0x1b5: {  	v3 =	vld.idx.msk [tilespmem:v0+s1+$0x0], $0xffff;
	(pc) =	sbr.rel @p0 .LBB2_30-.Ltmp14, $4  }
0x1b6: {  	v0 =	vld.idx.msk [tilespmem:v1+s1+$0x0], $0xffff  }
0x1b7: {  	s5 =	sadd.s32 $0x100, s5;
	v1 =	vld.idx.msk [tilespmem:v2+s1+$0x0], $0xffff  }
0x1b8: {  	v2 =	vld.idx.msk [tilespmem:v4+s1+$0x0], $0xffff;
	[tilespmem:s5+$0x0] =	vst v6  }
0x1b9: {  	s7 =	sadd.s32 $0x80, s7;
	v4 =	vld.idx.msk [tilespmem:v7+s1+$0x0], $0xffff;
	[tilespmem:s5+$0xFFFFFFA0] =	vst v8  }
0x1ba: {  	[tilespmem:s5+$0xFFFFFFB0] =	vst v5  }
0x1bb: {  	[tilespmem:s5+$0xFFFFFFC0] =	vst v3  }
0x1bc: {  	[tilespmem:s5+$0xFFFFFFD0] =	vst v0  }
0x1bd: {  	[tilespmem:s5+$0xFFFFFFE0] =	vst v1  }
0x1be: {  	s6 =	simm.s32 $0x1C780;
	[tilespmem:s5+$0xFFFFFFF0] =	vst v2  }
0x1bf: {  	s8 =	sadd.s32 $0x0, s20;
	s7 =	simm.s32 $0x1C880;
	[tilespmem:s5+$0xFFFFFF90] =	vst v4;
	s5 =	simm.s32 $0x80  }
.LBB2_32:
0x1c0: {  	[hbm4b:s8+s1] =	stream.linear.scatter [tilespmem:s6], [sflag:$0x3], $0x80, $0x38;
	[tilespmem:$0x1E700] =	vst v63  }
0x1c1: {  	s8 =	smov.u32 s5;
	s6 =	smov.u32 s7;
	p0 =	sne.s32 s5, $0xF80  }
.Ltmp15:
0x1c2: {  	s5 =	sadd.s32 $0x80, s5;
	(pc) =	sbr.rel @p0 .LBB2_32-.Ltmp15, $2  }
0x1c3: {  	_ =	sdelay $0x2  }
0x1c4: {  	s7 =	sadd.s32 $0x100, s7;
	s8 =	sadd.s32 s8, s20  }
0x1c5: {  	[hbm4b:s8+s1] =	stream.linear.scatter [tilespmem:s6], [sflag:$0x3], $0x80, $0x38;
	[tilespmem:$0x1E700] =	vst v63  }
0x1c6: {  	s4 =	sadd.s32 $0x1, s4  }
0x1c7: {  	_ =	swait.ge [sflag:s3], $0x1000;
	p0 =	sne.s32 s4, s30  }
.Ltmp16:
0x1c8: {  	[sflag:s3] =	ssyncset.done $0x0;
	(pc) =	sbr.rel @p0 .LBB2_1-.Ltmp16, $4  }
0x1c9: {  	[sflag:s3] =	ssyncadd.s32 $0xFFFFF000  }
0x1ca: {  	_ =	swait.ge [sflag:s3], $0x1000  }
0x1cb: {  	[sflag:s3] =	ssyncset.done $0x0  }
0x1cc: {  	[sflag:s3] =	ssyncadd.s32 $0xFFFFF000  }
0x1cd: {  	_ =	sfence.sel $0x180000  }
0x1ce: {  	[bflag:$0x0] =	sbarrier.arrive $0xFFFF  }
0x1cf: {  	_ =	strace $0x90000047  }
0x1d0: {  	s0 =	stileid.u32;
	[bflag:$0x2] =	sbarrier.arrive $0xFFFF  }
0x1d1: {  	p0 =	sne.s32 s0, $0x0;
	s0 =	rddreg [dreg:$0x3]  }
0x1d2: {  	s0 =	sadd.s32 @!p0 $0x100000, s0  }
0x1d3: {  	[sflag:s0] =	ssyncadd.tile.s32 @!p0 $0x1;
	_ =	shalt  }
.Lfunc_end2:
_tile_overlayer_lowered:
.L_overlay_start_2:
0x1d4: {  	(tag) =	ssettag $0x2  }
0x1d5: {  	s0 =	rddreg [dreg:$0x0];
	s2 =	stileid.u32  }
0x1d6: {  	s1 =	rddreg [dreg:$0x1];
	p0 =	sne.s32 s2, $0x0  }
0x1d7: {  	s3 =	rddreg [dreg:$0x2];
	[bflag:$0x3] =	sbarrier.arrive $0xFFFF;
	s2 =	simm.s32 @!p0 $0x1C04  }
0x1d8: {  	[timem:s3], [sflag:s2] =	dma.local @!p0 [hbm:s0], s1  }
0x1d9: {  	s0 =	simm.s32 @!p0 $0x4  }
0x1da: {  	_ =	swait.ge @!p0 [sflag:s0], s1  }
0x1db: {  	s1 =	ssub.s32 @!p0 $0x0, s1;
	[sflag:s0] =	ssyncset.done @!p0 $0x0  }
0x1dc: {  	[sflag:s0] =	ssyncadd.s32 @!p0 s1  }
0x1dd: {  	[bflag:$0x3] =	sbarrier.arrive $0xFFFF  }
0x1de: {  	_ =	shalt  }

</sc_bundles>
